<compile_context>
chip_gen: v7x
topology: tpu7x:2x2x1
jax: 0.10.2.dev20260603
libtpu: 0.0.44.dev20260713+nightly
codegen_flags: <defaults>
</compile_context>

<pallas_src>
import jax
import jax.numpy as jnp
from jax import lax
from jax.experimental import pallas as pl

S = 1024
A = 128
M = 512
N = 12
BB = 32


def _body(sp_ref, ab_ref, it_ref, mv_ref, w_ref, sp_out, ab_out, it_out, mv_out):
    sp = sp_ref[...]
    ab = ab_ref[...]
    it = it_ref[...]
    mv = mv_ref[...]

    iota_s = lax.broadcasted_iota(jnp.int32, (BB, S), 1)
    iota_a = lax.broadcasted_iota(jnp.int32, (BB, A), 1)
    iota_m = lax.broadcasted_iota(jnp.int32, (BB, M), 1)

    onehots = []
    counts = jnp.zeros((BB, S), jnp.float32)
    for n in range(N):
        tok = sp[:, n:n + 1]
        oh = (iota_s == tok - 1).astype(jnp.float32)
        onehots.append(oh)
        counts = counts + oh
    known = sp > 0
    k_count = jnp.sum(known.astype(jnp.float32), axis=1, keepdims=True)
    inv_t = 1.0 / jnp.maximum(jnp.float32(S) - k_count, 1.0)
    u = 1.0 - counts

    e_rows = []
    for n in range(N):
        kn = known[:, n:n + 1]
        e_rows.append(jnp.where(kn, onehots[n], u).astype(jnp.bfloat16))
        sp_out[:, n * S:(n + 1) * S] = jnp.where(kn, onehots[n], u * inv_t)

    e_all = jnp.concatenate(e_rows, axis=0)
    g_all = jnp.dot(e_all, w_ref[...], preferred_element_type=jnp.float32)

    for n in range(N):
        g = g_all[n * BB:(n + 1) * BB, :]
        kn = known[:, n:n + 1]
        r = g * jnp.where(kn, 1.0, inv_t)
        r_ab = r[:, 0:A]
        r_it = r[:, A:2 * A]
        r_mv = r[:, 2 * A:]

        abn = ab[:, n:n + 1]
        am = abn > 0
        oh_ab = (iota_a == abn - 1).astype(jnp.float32)
        unk_a = r_ab / jnp.maximum(jnp.sum(r_ab, axis=1, keepdims=True), 1.0)
        ab_out[:, n * A:(n + 1) * A] = jnp.where(am, oh_ab, unk_a)

        itn = it[:, n:n + 1]
        oh_it = (iota_a == jnp.maximum(itn - 1, 0)).astype(jnp.float32)
        unk_i = r_it / jnp.maximum(jnp.sum(r_it, axis=1, keepdims=True), 1.0)
        it_out[:, n * A:(n + 1) * A] = jnp.where(am, oh_it, unk_i)

        km = jnp.zeros((BB, M), jnp.float32)
        msum = jnp.zeros((BB, 1), jnp.int32)
        for j in range(4):
            mt = mv[:, 4 * n + j:4 * n + j + 1]
            km = km + (iota_m == mt - 1).astype(jnp.float32)
            msum = msum + mt
        unk_m = r_mv - km
        unk_m = unk_m / jnp.maximum(jnp.sum(unk_m, axis=1, keepdims=True), 1.0)
        num_missing = 4.0 - jnp.sum((km > 0).astype(jnp.float32), axis=1,
                                    keepdims=True)
        mm = kn & (msum != 0)
        mv_out[:, n * M:(n + 1) * M] = jnp.where(
            mm, km + num_missing * unk_m, 4.0 * unk_m)


def kernel(species_token, ability_token, item_token, move_tokens,
           species_table, abilities_w, abilities_onehot,
           items_w, items_onehot, moves_w, moves_onehot):
    B = species_token.shape[0]
    wcat = jnp.concatenate([abilities_w, items_w, moves_w],
                           axis=1).astype(jnp.bfloat16)
    mv_flat = move_tokens.reshape(B, N * 4)
    D = 2 * A + M

    outs = pl.pallas_call(
        _body,
        grid=(B // BB,),
        in_specs=[
            pl.BlockSpec((BB, N), lambda i: (i, 0)),
            pl.BlockSpec((BB, N), lambda i: (i, 0)),
            pl.BlockSpec((BB, N), lambda i: (i, 0)),
            pl.BlockSpec((BB, N * 4), lambda i: (i, 0)),
            pl.BlockSpec((S, D), lambda i: (0, 0)),
        ],
        out_specs=[
            pl.BlockSpec((BB, N * S), lambda i: (i, 0)),
            pl.BlockSpec((BB, N * A), lambda i: (i, 0)),
            pl.BlockSpec((BB, N * A), lambda i: (i, 0)),
            pl.BlockSpec((BB, N * M), lambda i: (i, 0)),
        ],
        out_shape=[
            jax.ShapeDtypeStruct((B, N * S), jnp.float32),
            jax.ShapeDtypeStruct((B, N * A), jnp.float32),
            jax.ShapeDtypeStruct((B, N * A), jnp.float32),
            jax.ShapeDtypeStruct((B, N * M), jnp.float32),
        ],
    )(species_token, ability_token, item_token, mv_flat, wcat)

    sp_e, ab_e, it_e, mv_e = outs
    return (sp_e.reshape(B, N, S), ab_e.reshape(B, N, A),
            it_e.reshape(B, N, A), mv_e.reshape(B, N, M))

# --- scband reference (transcript-rebuilt; emitter-appended) ---
"""Pipeline reference for scband-entity-embedding-82265803587813 (READ-ONLY COPY).

The authoritative reference and input builder live on the scoring server;
editing this copy changes nothing except your own understanding.
"""

import jax, jax.numpy as jnp
import numpy as np

S = 1024  # num species
A = 128   # num abilities
I = 128   # num items
M = 512   # num moves
B = 1024  # batch of game states
N = 12    # entities per state


def setup_inputs(seed: int = 0) -> dict:
    key = jax.random.key(seed)
    ks = jax.random.split(key, 8)
    species_token = jax.random.randint(ks[0], (B, N), 0, S + 1, dtype=jnp.int32)
    ability_token = jax.random.randint(ks[1], (B, N), 0, A + 1, dtype=jnp.int32)
    item_token = jax.random.randint(ks[2], (B, N), 0, I + 1, dtype=jnp.int32)
    move_tokens = jax.random.randint(ks[3], (B, N, 4), 0, M + 1, dtype=jnp.int32)
    # learned/pretrained tables (synthetic stand-ins for CSV/JSON data)
    species_table = jnp.eye(S + 1, dtype=jnp.float32)[:, 1:]                 # (S+1, S)
    abilities_w = jax.random.bernoulli(ks[4], 0.05, (S, A)).astype(jnp.float32)
    abilities_onehot = jnp.eye(A, dtype=jnp.float32)                          # (A, A)
    items_w = jax.random.bernoulli(ks[5], 0.05, (S, I)).astype(jnp.float32)
    items_onehot = jnp.eye(I, dtype=jnp.float32)                              # (I, I)
    moves_w = jax.random.bernoulli(ks[6], 0.1, (S, M)).astype(jnp.float32)
    moves_onehot = jnp.eye(M + 1, dtype=jnp.float32)[:, 1:]                   # (M+1, M)
    return {
        'species_token': species_token,
        'ability_token': ability_token,
        'item_token': item_token,
        'move_tokens': move_tokens,
        'species_table': species_table,
        'abilities_w': abilities_w,
        'abilities_onehot': abilities_onehot,
        'items_w': items_w,
        'items_onehot': items_onehot,
        'moves_w': moves_w,
        'moves_onehot': moves_onehot,
    }


def reference(species_token, ability_token, item_token, move_tokens,
              species_table, abilities_w, abilities_onehot,
              items_w, items_onehot, moves_w, moves_onehot):
    # forward_species
    species_mask = species_token > 0
    sm = species_mask[..., None]
    onehot = jnp.take(species_table, species_token, axis=0)          # (B, N, S)
    unknown_s = jnp.ones_like(onehot) - jnp.sum(onehot, axis=-2, keepdims=True)
    t_unknown = jnp.sum(unknown_s, axis=-1, keepdims=True)
    species_embedding = jnp.where(sm, onehot, unknown_s / jnp.maximum(t_unknown, 1.0))

    # forward_ability
    am = (ability_token > 0)[..., None]
    known_a = jnp.take(abilities_onehot, jnp.maximum(ability_token - 1, 0), axis=0)
    unk_a = species_embedding @ abilities_w
    unk_a = unk_a / jnp.maximum(jnp.sum(unk_a, axis=-1, keepdims=True), 1.0)
    ability_embedding = jnp.where(am, known_a, unk_a)

    # forward_item (note: original code uses ability_token for the mask — kept faithful)
    im = (ability_token > 0)[..., None]
    known_i = jnp.take(items_onehot, jnp.maximum(item_token - 1, 0), axis=0)
    unk_i = species_embedding @ items_w
    unk_i = unk_i / jnp.maximum(jnp.sum(unk_i, axis=-1, keepdims=True), 1.0)
    item_embedding = jnp.where(im, known_i, unk_i)

    # forward_moveset
    mm = (species_mask & (jnp.sum(move_tokens, axis=-1) != 0))[..., None]
    known_m = jnp.sum(jnp.take(moves_onehot, move_tokens, axis=0), axis=-2)   # (B, N, M)
    all_unknown = species_embedding @ moves_w
    unk_m = all_unknown - known_m
    unk_m = unk_m / jnp.maximum(jnp.sum(unk_m, axis=-1, keepdims=True), 1.0)
    num_missing = 4 - jnp.sum(known_m > 0, axis=-1, keepdims=True)
    move_embedding = jnp.where(mm, known_m + num_missing * unk_m, 4.0 * unk_m)

    return (species_embedding, ability_embedding, item_embedding, move_embedding)

if __name__ == "__main__":
    import jax
    _d = setup_inputs()
    print(jax.jit(kernel)(*tuple(_d.values())))

</pallas_src>

<mosaic_0001>
module attributes {stable_mosaic.version = 14 : i64} {
  func.func @_body(%arg0: i32, %arg1: memref<32x12xi32, #tpu.memory_space<vmem>>, %arg2: memref<32x12xi32, #tpu.memory_space<vmem>>, %arg3: memref<32x12xi32, #tpu.memory_space<vmem>>, %arg4: memref<32x48xi32, #tpu.memory_space<vmem>>, %arg5: memref<1024x768xbf16, #tpu.memory_space<vmem>>, %arg6: memref<32x12288xf32, #tpu.memory_space<vmem>>, %arg7: memref<32x1536xf32, #tpu.memory_space<vmem>>, %arg8: memref<32x1536xf32, #tpu.memory_space<vmem>>, %arg9: memref<32x6144xf32, #tpu.memory_space<vmem>>) attributes {dimension_semantics = [#tpu.dimension_semantics<arbitrary>], iteration_bounds = array<i64: 32>, scalar_prefetch = 0 : i64, scratch_operands = 0 : i64, tpu.core_type = #tpu.core_type<tc>, window_params = [{transform_indices = @transform_0, window_bounds = array<i64: 32, 12>}, {transform_indices = @transform_1, window_bounds = array<i64: 32, 12>}, {transform_indices = @transform_2, window_bounds = array<i64: 32, 12>}, {transform_indices = @transform_3, window_bounds = array<i64: 32, 48>}, {pipeline_mode = #tpu.pipeline_mode<synchronous>, transform_indices = @transform_4, window_bounds = array<i64: 1024, 768>}, {transform_indices = @transform_5, window_bounds = array<i64: 32, 12288>}, {transform_indices = @transform_6, window_bounds = array<i64: 32, 1536>}, {transform_indices = @transform_7, window_bounds = array<i64: 32, 1536>}, {transform_indices = @transform_8, window_bounds = array<i64: 32, 6144>}]} {
    %get3A = arith.constant 0 : index
    %get3A_0 = arith.constant 0 : index
    %get3A_1 = vector.load %arg1[%get3A, %get3A_0] : memref<32x12xi32, #tpu.memory_space<vmem>>, vector<32x12xi32>
    %get3A_2 = arith.constant 0 : index
    %get3A_3 = arith.constant 0 : index
    %get3A_4 = vector.load %arg2[%get3A_2, %get3A_3] : memref<32x12xi32, #tpu.memory_space<vmem>>, vector<32x12xi32>
    %get3A_5 = arith.constant 0 : index
    %get3A_6 = arith.constant 0 : index
    %get3A_7 = vector.load %arg3[%get3A_5, %get3A_6] : memref<32x12xi32, #tpu.memory_space<vmem>>, vector<32x12xi32>
    %get3A_8 = arith.constant 0 : index
    %get3A_9 = arith.constant 0 : index
    %get3A_10 = vector.load %arg4[%get3A_8, %get3A_9] : memref<32x48xi32, #tpu.memory_space<vmem>>, vector<32x48xi32>
    %iota3A = tpu.iota {dimensions = array<i32: 1>} : vector<32x1024xi32>
    %iota3A_11 = tpu.iota {dimensions = array<i32: 1>} : vector<32x128xi32>
    %iota3A_12 = tpu.iota {dimensions = array<i32: 1>} : vector<32x512xi32>
    %broadcast_in_dim3A = arith.constant 0.000000e+00 : f32
    %broadcast_in_dim3A_13 = vector.broadcast %broadcast_in_dim3A : f32 to vector<32x1024xf32>
    %slice3A = vector.extract_strided_slice %get3A_1 {offsets = [0, 0], sizes = [32, 1], strides = [1, 1]} : vector<32x12xi32> to vector<32x1xi32>
    %sub3A = arith.constant 1 : i32
    %sub3A_14 = vector.broadcast %sub3A : i32 to vector<32x1xi32>
    %sub3A_15 = arith.subi %slice3A, %sub3A_14 : vector<32x1xi32>
    %eq3A = vector.broadcast %sub3A_15 : vector<32x1xi32> to vector<32x1024xi32>
    %eq3A_16 = arith.cmpi eq, %iota3A, %eq3A : vector<32x1024xi32>
    %convert_element_type3A = arith.extui %eq3A_16 : vector<32x1024xi1> to vector<32x1024xi32>
    %convert_element_type3A_17 = arith.sitofp %convert_element_type3A : vector<32x1024xi32> to vector<32x1024xf32>
    %add3A = arith.addf %broadcast_in_dim3A_13, %convert_element_type3A_17 : vector<32x1024xf32>
    %slice3A_18 = vector.extract_strided_slice %get3A_1 {offsets = [0, 1], sizes = [32, 1], strides = [1, 1]} : vector<32x12xi32> to vector<32x1xi32>
    %sub3A_19 = arith.constant 1 : i32
    %sub3A_20 = vector.broadcast %sub3A_19 : i32 to vector<32x1xi32>
    %sub3A_21 = arith.subi %slice3A_18, %sub3A_20 : vector<32x1xi32>
    %eq3A_22 = vector.broadcast %sub3A_21 : vector<32x1xi32> to vector<32x1024xi32>
    %eq3A_23 = arith.cmpi eq, %iota3A, %eq3A_22 : vector<32x1024xi32>
    %convert_element_type3A_24 = arith.extui %eq3A_23 : vector<32x1024xi1> to vector<32x1024xi32>
    %convert_element_type3A_25 = arith.sitofp %convert_element_type3A_24 : vector<32x1024xi32> to vector<32x1024xf32>
    %add3A_26 = arith.addf %add3A, %convert_element_type3A_25 : vector<32x1024xf32>
    %slice3A_27 = vector.extract_strided_slice %get3A_1 {offsets = [0, 2], sizes = [32, 1], strides = [1, 1]} : vector<32x12xi32> to vector<32x1xi32>
    %sub3A_28 = arith.constant 1 : i32
    %sub3A_29 = vector.broadcast %sub3A_28 : i32 to vector<32x1xi32>
    %sub3A_30 = arith.subi %slice3A_27, %sub3A_29 : vector<32x1xi32>
    %eq3A_31 = vector.broadcast %sub3A_30 : vector<32x1xi32> to vector<32x1024xi32>
    %eq3A_32 = arith.cmpi eq, %iota3A, %eq3A_31 : vector<32x1024xi32>
    %convert_element_type3A_33 = arith.extui %eq3A_32 : vector<32x1024xi1> to vector<32x1024xi32>
    %convert_element_type3A_34 = arith.sitofp %convert_element_type3A_33 : vector<32x1024xi32> to vector<32x1024xf32>
    %add3A_35 = arith.addf %add3A_26, %convert_element_type3A_34 : vector<32x1024xf32>
    %slice3A_36 = vector.extract_strided_slice %get3A_1 {offsets = [0, 3], sizes = [32, 1], strides = [1, 1]} : vector<32x12xi32> to vector<32x1xi32>
    %sub3A_37 = arith.constant 1 : i32
    %sub3A_38 = vector.broadcast %sub3A_37 : i32 to vector<32x1xi32>
    %sub3A_39 = arith.subi %slice3A_36, %sub3A_38 : vector<32x1xi32>
    %eq3A_40 = vector.broadcast %sub3A_39 : vector<32x1xi32> to vector<32x1024xi32>
    %eq3A_41 = arith.cmpi eq, %iota3A, %eq3A_40 : vector<32x1024xi32>
    %convert_element_type3A_42 = arith.extui %eq3A_41 : vector<32x1024xi1> to vector<32x1024xi32>
    %convert_element_type3A_43 = arith.sitofp %convert_element_type3A_42 : vector<32x1024xi32> to vector<32x1024xf32>
    %add3A_44 = arith.addf %add3A_35, %convert_element_type3A_43 : vector<32x1024xf32>
    %slice3A_45 = vector.extract_strided_slice %get3A_1 {offsets = [0, 4], sizes = [32, 1], strides = [1, 1]} : vector<32x12xi32> to vector<32x1xi32>
    %sub3A_46 = arith.constant 1 : i32
    %sub3A_47 = vector.broadcast %sub3A_46 : i32 to vector<32x1xi32>
    %sub3A_48 = arith.subi %slice3A_45, %sub3A_47 : vector<32x1xi32>
    %eq3A_49 = vector.broadcast %sub3A_48 : vector<32x1xi32> to vector<32x1024xi32>
    %eq3A_50 = arith.cmpi eq, %iota3A, %eq3A_49 : vector<32x1024xi32>
    %convert_element_type3A_51 = arith.extui %eq3A_50 : vector<32x1024xi1> to vector<32x1024xi32>
    %convert_element_type3A_52 = arith.sitofp %convert_element_type3A_51 : vector<32x1024xi32> to vector<32x1024xf32>
    %add3A_53 = arith.addf %add3A_44, %convert_element_type3A_52 : vector<32x1024xf32>
    %slice3A_54 = vector.extract_strided_slice %get3A_1 {offsets = [0, 5], sizes = [32, 1], strides = [1, 1]} : vector<32x12xi32> to vector<32x1xi32>
    %sub3A_55 = arith.constant 1 : i32
    %sub3A_56 = vector.broadcast %sub3A_55 : i32 to vector<32x1xi32>
    %sub3A_57 = arith.subi %slice3A_54, %sub3A_56 : vector<32x1xi32>
    %eq3A_58 = vector.broadcast %sub3A_57 : vector<32x1xi32> to vector<32x1024xi32>
    %eq3A_59 = arith.cmpi eq, %iota3A, %eq3A_58 : vector<32x1024xi32>
    %convert_element_type3A_60 = arith.extui %eq3A_59 : vector<32x1024xi1> to vector<32x1024xi32>
    %convert_element_type3A_61 = arith.sitofp %convert_element_type3A_60 : vector<32x1024xi32> to vector<32x1024xf32>
    %add3A_62 = arith.addf %add3A_53, %convert_element_type3A_61 : vector<32x1024xf32>
    %slice3A_63 = vector.extract_strided_slice %get3A_1 {offsets = [0, 6], sizes = [32, 1], strides = [1, 1]} : vector<32x12xi32> to vector<32x1xi32>
    %sub3A_64 = arith.constant 1 : i32
    %sub3A_65 = vector.broadcast %sub3A_64 : i32 to vector<32x1xi32>
    %sub3A_66 = arith.subi %slice3A_63, %sub3A_65 : vector<32x1xi32>
    %eq3A_67 = vector.broadcast %sub3A_66 : vector<32x1xi32> to vector<32x1024xi32>
    %eq3A_68 = arith.cmpi eq, %iota3A, %eq3A_67 : vector<32x1024xi32>
    %convert_element_type3A_69 = arith.extui %eq3A_68 : vector<32x1024xi1> to vector<32x1024xi32>
    %convert_element_type3A_70 = arith.sitofp %convert_element_type3A_69 : vector<32x1024xi32> to vector<32x1024xf32>
    %add3A_71 = arith.addf %add3A_62, %convert_element_type3A_70 : vector<32x1024xf32>
    %slice3A_72 = vector.extract_strided_slice %get3A_1 {offsets = [0, 7], sizes = [32, 1], strides = [1, 1]} : vector<32x12xi32> to vector<32x1xi32>
    %sub3A_73 = arith.constant 1 : i32
    %sub3A_74 = vector.broadcast %sub3A_73 : i32 to vector<32x1xi32>
    %sub3A_75 = arith.subi %slice3A_72, %sub3A_74 : vector<32x1xi32>
    %eq3A_76 = vector.broadcast %sub3A_75 : vector<32x1xi32> to vector<32x1024xi32>
    %eq3A_77 = arith.cmpi eq, %iota3A, %eq3A_76 : vector<32x1024xi32>
    %convert_element_type3A_78 = arith.extui %eq3A_77 : vector<32x1024xi1> to vector<32x1024xi32>
    %convert_element_type3A_79 = arith.sitofp %convert_element_type3A_78 : vector<32x1024xi32> to vector<32x1024xf32>
    %add3A_80 = arith.addf %add3A_71, %convert_element_type3A_79 : vector<32x1024xf32>
    %slice3A_81 = vector.extract_strided_slice %get3A_1 {offsets = [0, 8], sizes = [32, 1], strides = [1, 1]} : vector<32x12xi32> to vector<32x1xi32>
    %sub3A_82 = arith.constant 1 : i32
    %sub3A_83 = vector.broadcast %sub3A_82 : i32 to vector<32x1xi32>
    %sub3A_84 = arith.subi %slice3A_81, %sub3A_83 : vector<32x1xi32>
    %eq3A_85 = vector.broadcast %sub3A_84 : vector<32x1xi32> to vector<32x1024xi32>
    %eq3A_86 = arith.cmpi eq, %iota3A, %eq3A_85 : vector<32x1024xi32>
    %convert_element_type3A_87 = arith.extui %eq3A_86 : vector<32x1024xi1> to vector<32x1024xi32>
    %convert_element_type3A_88 = arith.sitofp %convert_element_type3A_87 : vector<32x1024xi32> to vector<32x1024xf32>
    %add3A_89 = arith.addf %add3A_80, %convert_element_type3A_88 : vector<32x1024xf32>
    %slice3A_90 = vector.extract_strided_slice %get3A_1 {offsets = [0, 9], sizes = [32, 1], strides = [1, 1]} : vector<32x12xi32> to vector<32x1xi32>
    %sub3A_91 = arith.constant 1 : i32
    %sub3A_92 = vector.broadcast %sub3A_91 : i32 to vector<32x1xi32>
    %sub3A_93 = arith.subi %slice3A_90, %sub3A_92 : vector<32x1xi32>
    %eq3A_94 = vector.broadcast %sub3A_93 : vector<32x1xi32> to vector<32x1024xi32>
    %eq3A_95 = arith.cmpi eq, %iota3A, %eq3A_94 : vector<32x1024xi32>
    %convert_element_type3A_96 = arith.extui %eq3A_95 : vector<32x1024xi1> to vector<32x1024xi32>
    %convert_element_type3A_97 = arith.sitofp %convert_element_type3A_96 : vector<32x1024xi32> to vector<32x1024xf32>
    %add3A_98 = arith.addf %add3A_89, %convert_element_type3A_97 : vector<32x1024xf32>
    %slice3A_99 = vector.extract_strided_slice %get3A_1 {offsets = [0, 10], sizes = [32, 1], strides = [1, 1]} : vector<32x12xi32> to vector<32x1xi32>
    %sub3A_100 = arith.constant 1 : i32
    %sub3A_101 = vector.broadcast %sub3A_100 : i32 to vector<32x1xi32>
    %sub3A_102 = arith.subi %slice3A_99, %sub3A_101 : vector<32x1xi32>
    %eq3A_103 = vector.broadcast %sub3A_102 : vector<32x1xi32> to vector<32x1024xi32>
    %eq3A_104 = arith.cmpi eq, %iota3A, %eq3A_103 : vector<32x1024xi32>
    %convert_element_type3A_105 = arith.extui %eq3A_104 : vector<32x1024xi1> to vector<32x1024xi32>
    %convert_element_type3A_106 = arith.sitofp %convert_element_type3A_105 : vector<32x1024xi32> to vector<32x1024xf32>
    %add3A_107 = arith.addf %add3A_98, %convert_element_type3A_106 : vector<32x1024xf32>
    %slice3A_108 = vector.extract_strided_slice %get3A_1 {offsets = [0, 11], sizes = [32, 1], strides = [1, 1]} : vector<32x12xi32> to vector<32x1xi32>
    %sub3A_109 = arith.constant 1 : i32
    %sub3A_110 = vector.broadcast %sub3A_109 : i32 to vector<32x1xi32>
    %sub3A_111 = arith.subi %slice3A_108, %sub3A_110 : vector<32x1xi32>
    %eq3A_112 = vector.broadcast %sub3A_111 : vector<32x1xi32> to vector<32x1024xi32>
    %eq3A_113 = arith.cmpi eq, %iota3A, %eq3A_112 : vector<32x1024xi32>
    %convert_element_type3A_114 = arith.extui %eq3A_113 : vector<32x1024xi1> to vector<32x1024xi32>
    %convert_element_type3A_115 = arith.sitofp %convert_element_type3A_114 : vector<32x1024xi32> to vector<32x1024xf32>
    %add3A_116 = arith.addf %add3A_107, %convert_element_type3A_115 : vector<32x1024xf32>
    %gt3A = arith.constant 0 : i32
    %gt3A_117 = vector.broadcast %gt3A : i32 to vector<32x12xi32>
    %gt3A_118 = arith.cmpi sgt, %get3A_1, %gt3A_117 : vector<32x12xi32>
    %convert_element_type3A_119 = arith.extui %gt3A_118 : vector<32x12xi1> to vector<32x12xi32>
    %convert_element_type3A_120 = arith.sitofp %convert_element_type3A_119 : vector<32x12xi32> to vector<32x12xf32>
    %reduce_sum3A = arith.constant dense<0.000000e+00> : vector<32xf32>
    %reduce_sum3A_121 = vector.multi_reduction <add>, %convert_element_type3A_120, %reduce_sum3A [1] : vector<32x12xf32> to vector<32xf32>
    %broadcast_in_dim3A_122 = vector.shape_cast %reduce_sum3A_121 : vector<32xf32> to vector<32x1xf32>
    %sub3A_123 = arith.constant 1.024000e+03 : f32
    %sub3A_124 = vector.broadcast %sub3A_123 : f32 to vector<32x1xf32>
    %sub3A_125 = arith.subf %sub3A_124, %broadcast_in_dim3A_122 : vector<32x1xf32>
    %max3A = arith.constant 1.000000e+00 : f32
    %max3A_126 = vector.broadcast %max3A : f32 to vector<32x1xf32>
    %max3A_127 = arith.maximumf %sub3A_125, %max3A_126 : vector<32x1xf32>
    %div3A = arith.constant 1.000000e+00 : f32
    %div3A_128 = vector.broadcast %div3A : f32 to vector<32x1xf32>
    %div3A_129 = arith.divf %div3A_128, %max3A_127 : vector<32x1xf32>
    %sub3A_130 = arith.constant 1.000000e+00 : f32
    %sub3A_131 = vector.broadcast %sub3A_130 : f32 to vector<32x1024xf32>
    %sub3A_132 = arith.subf %sub3A_131, %add3A_116 : vector<32x1024xf32>
    %slice3A_133 = vector.extract_strided_slice %gt3A_118 {offsets = [0, 0], sizes = [32, 1], strides = [1, 1]} : vector<32x12xi1> to vector<32x1xi1>
    %broadcast_in_dim3A_134 = vector.shape_cast %slice3A_133 : vector<32x1xi1> to vector<32x1xi1>
    %broadcast_in_dim3A_135 = vector.broadcast %broadcast_in_dim3A_134 : vector<32x1xi1> to vector<32x1024xi1>
    %select_n3A = arith.select %broadcast_in_dim3A_135, %convert_element_type3A_17, %sub3A_132 : vector<32x1024xi1>, vector<32x1024xf32>
    %convert_element_type3A_136 = arith.truncf %select_n3A : vector<32x1024xf32> to vector<32x1024xbf16>
    %mul3A = vector.broadcast %div3A_129 : vector<32x1xf32> to vector<32x1024xf32>
    %mul3A_137 = arith.mulf %sub3A_132, %mul3A : vector<32x1024xf32>
    %broadcast_in_dim3A_138 = vector.shape_cast %slice3A_133 : vector<32x1xi1> to vector<32x1xi1>
    %broadcast_in_dim3A_139 = vector.broadcast %broadcast_in_dim3A_138 : vector<32x1xi1> to vector<32x1024xi1>
    %select_n3A_140 = arith.select %broadcast_in_dim3A_139, %convert_element_type3A_17, %mul3A_137 : vector<32x1024xi1>, vector<32x1024xf32>
    %swap3A = arith.constant 0 : index
    %swap3A_141 = arith.constant 0 : index
    %swap3A_142 = vector.load %arg6[%swap3A, %swap3A_141] : memref<32x12288xf32, #tpu.memory_space<vmem>>, vector<32x1024xf32>
    tpu.vector_store %arg6[%swap3A, %swap3A_141], %select_n3A_140 {strides = array<i32>} : memref<32x12288xf32, #tpu.memory_space<vmem>>, vector<32x1024xf32>,
    %slice3A_143 = vector.extract_strided_slice %gt3A_118 {offsets = [0, 1], sizes = [32, 1], strides = [1, 1]} : vector<32x12xi1> to vector<32x1xi1>
    %broadcast_in_dim3A_144 = vector.shape_cast %slice3A_143 : vector<32x1xi1> to vector<32x1xi1>
    %broadcast_in_dim3A_145 = vector.broadcast %broadcast_in_dim3A_144 : vector<32x1xi1> to vector<32x1024xi1>
    %select_n3A_146 = arith.select %broadcast_in_dim3A_145, %convert_element_type3A_25, %sub3A_132 : vector<32x1024xi1>, vector<32x1024xf32>
    %convert_element_type3A_147 = arith.truncf %select_n3A_146 : vector<32x1024xf32> to vector<32x1024xbf16>
    %mul3A_148 = vector.broadcast %div3A_129 : vector<32x1xf32> to vector<32x1024xf32>
    %mul3A_149 = arith.mulf %sub3A_132, %mul3A_148 : vector<32x1024xf32>
    %broadcast_in_dim3A_150 = vector.shape_cast %slice3A_143 : vector<32x1xi1> to vector<32x1xi1>
    %broadcast_in_dim3A_151 = vector.broadcast %broadcast_in_dim3A_150 : vector<32x1xi1> to vector<32x1024xi1>
    %select_n3A_152 = arith.select %broadcast_in_dim3A_151, %convert_element_type3A_25, %mul3A_149 : vector<32x1024xi1>, vector<32x1024xf32>
    %swap3A_153 = arith.constant 0 : index
    %swap3A_154 = arith.constant 1024 : index
    %swap3A_155 = vector.load %arg6[%swap3A_153, %swap3A_154] : memref<32x12288xf32, #tpu.memory_space<vmem>>, vector<32x1024xf32>
    tpu.vector_store %arg6[%swap3A_153, %swap3A_154], %select_n3A_152 {strides = array<i32>} : memref<32x12288xf32, #tpu.memory_space<vmem>>, vector<32x1024xf32>,
    %slice3A_156 = vector.extract_strided_slice %gt3A_118 {offsets = [0, 2], sizes = [32, 1], strides = [1, 1]} : vector<32x12xi1> to vector<32x1xi1>
    %broadcast_in_dim3A_157 = vector.shape_cast %slice3A_156 : vector<32x1xi1> to vector<32x1xi1>
    %broadcast_in_dim3A_158 = vector.broadcast %broadcast_in_dim3A_157 : vector<32x1xi1> to vector<32x1024xi1>
    %select_n3A_159 = arith.select %broadcast_in_dim3A_158, %convert_element_type3A_34, %sub3A_132 : vector<32x1024xi1>, vector<32x1024xf32>
    %convert_element_type3A_160 = arith.truncf %select_n3A_159 : vector<32x1024xf32> to vector<32x1024xbf16>
    %mul3A_161 = vector.broadcast %div3A_129 : vector<32x1xf32> to vector<32x1024xf32>
    %mul3A_162 = arith.mulf %sub3A_132, %mul3A_161 : vector<32x1024xf32>
    %broadcast_in_dim3A_163 = vector.shape_cast %slice3A_156 : vector<32x1xi1> to vector<32x1xi1>
    %broadcast_in_dim3A_164 = vector.broadcast %broadcast_in_dim3A_163 : vector<32x1xi1> to vector<32x1024xi1>
    %select_n3A_165 = arith.select %broadcast_in_dim3A_164, %convert_element_type3A_34, %mul3A_162 : vector<32x1024xi1>, vector<32x1024xf32>
    %swap3A_166 = arith.constant 0 : index
    %swap3A_167 = arith.constant 2048 : index
    %swap3A_168 = vector.load %arg6[%swap3A_166, %swap3A_167] : memref<32x12288xf32, #tpu.memory_space<vmem>>, vector<32x1024xf32>
    tpu.vector_store %arg6[%swap3A_166, %swap3A_167], %select_n3A_165 {strides = array<i32>} : memref<32x12288xf32, #tpu.memory_space<vmem>>, vector<32x1024xf32>,
    %slice3A_169 = vector.extract_strided_slice %gt3A_118 {offsets = [0, 3], sizes = [32, 1], strides = [1, 1]} : vector<32x12xi1> to vector<32x1xi1>
    %broadcast_in_dim3A_170 = vector.shape_cast %slice3A_169 : vector<32x1xi1> to vector<32x1xi1>
    %broadcast_in_dim3A_171 = vector.broadcast %broadcast_in_dim3A_170 : vector<32x1xi1> to vector<32x1024xi1>
    %select_n3A_172 = arith.select %broadcast_in_dim3A_171, %convert_element_type3A_43, %sub3A_132 : vector<32x1024xi1>, vector<32x1024xf32>
    %convert_element_type3A_173 = arith.truncf %select_n3A_172 : vector<32x1024xf32> to vector<32x1024xbf16>
    %mul3A_174 = vector.broadcast %div3A_129 : vector<32x1xf32> to vector<32x1024xf32>
    %mul3A_175 = arith.mulf %sub3A_132, %mul3A_174 : vector<32x1024xf32>
    %broadcast_in_dim3A_176 = vector.shape_cast %slice3A_169 : vector<32x1xi1> to vector<32x1xi1>
    %broadcast_in_dim3A_177 = vector.broadcast %broadcast_in_dim3A_176 : vector<32x1xi1> to vector<32x1024xi1>
    %select_n3A_178 = arith.select %broadcast_in_dim3A_177, %convert_element_type3A_43, %mul3A_175 : vector<32x1024xi1>, vector<32x1024xf32>
    %swap3A_179 = arith.constant 0 : index
    %swap3A_180 = arith.constant 3072 : index
    %swap3A_181 = vector.load %arg6[%swap3A_179, %swap3A_180] : memref<32x12288xf32, #tpu.memory_space<vmem>>, vector<32x1024xf32>
    tpu.vector_store %arg6[%swap3A_179, %swap3A_180], %select_n3A_178 {strides = array<i32>} : memref<32x12288xf32, #tpu.memory_space<vmem>>, vector<32x1024xf32>,
    %slice3A_182 = vector.extract_strided_slice %gt3A_118 {offsets = [0, 4], sizes = [32, 1], strides = [1, 1]} : vector<32x12xi1> to vector<32x1xi1>
    %broadcast_in_dim3A_183 = vector.shape_cast %slice3A_182 : vector<32x1xi1> to vector<32x1xi1>
    %broadcast_in_dim3A_184 = vector.broadcast %broadcast_in_dim3A_183 : vector<32x1xi1> to vector<32x1024xi1>
    %select_n3A_185 = arith.select %broadcast_in_dim3A_184, %convert_element_type3A_52, %sub3A_132 : vector<32x1024xi1>, vector<32x1024xf32>
    %convert_element_type3A_186 = arith.truncf %select_n3A_185 : vector<32x1024xf32> to vector<32x1024xbf16>
    %mul3A_187 = vector.broadcast %div3A_129 : vector<32x1xf32> to vector<32x1024xf32>
    %mul3A_188 = arith.mulf %sub3A_132, %mul3A_187 : vector<32x1024xf32>
    %broadcast_in_dim3A_189 = vector.shape_cast %slice3A_182 : vector<32x1xi1> to vector<32x1xi1>
    %broadcast_in_dim3A_190 = vector.broadcast %broadcast_in_dim3A_189 : vector<32x1xi1> to vector<32x1024xi1>
    %select_n3A_191 = arith.select %broadcast_in_dim3A_190, %convert_element_type3A_52, %mul3A_188 : vector<32x1024xi1>, vector<32x1024xf32>
    %swap3A_192 = arith.constant 0 : index
    %swap3A_193 = arith.constant 4096 : index
    %swap3A_194 = vector.load %arg6[%swap3A_192, %swap3A_193] : memref<32x12288xf32, #tpu.memory_space<vmem>>, vector<32x1024xf32>
    tpu.vector_store %arg6[%swap3A_192, %swap3A_193], %select_n3A_191 {strides = array<i32>} : memref<32x12288xf32, #tpu.memory_space<vmem>>, vector<32x1024xf32>,
    %slice3A_195 = vector.extract_strided_slice %gt3A_118 {offsets = [0, 5], sizes = [32, 1], strides = [1, 1]} : vector<32x12xi1> to vector<32x1xi1>
    %broadcast_in_dim3A_196 = vector.shape_cast %slice3A_195 : vector<32x1xi1> to vector<32x1xi1>
    %broadcast_in_dim3A_197 = vector.broadcast %broadcast_in_dim3A_196 : vector<32x1xi1> to vector<32x1024xi1>
    %select_n3A_198 = arith.select %broadcast_in_dim3A_197, %convert_element_type3A_61, %sub3A_132 : vector<32x1024xi1>, vector<32x1024xf32>
    %convert_element_type3A_199 = arith.truncf %select_n3A_198 : vector<32x1024xf32> to vector<32x1024xbf16>
    %mul3A_200 = vector.broadcast %div3A_129 : vector<32x1xf32> to vector<32x1024xf32>
    %mul3A_201 = arith.mulf %sub3A_132, %mul3A_200 : vector<32x1024xf32>
    %broadcast_in_dim3A_202 = vector.shape_cast %slice3A_195 : vector<32x1xi1> to vector<32x1xi1>
    %broadcast_in_dim3A_203 = vector.broadcast %broadcast_in_dim3A_202 : vector<32x1xi1> to vector<32x1024xi1>
    %select_n3A_204 = arith.select %broadcast_in_dim3A_203, %convert_element_type3A_61, %mul3A_201 : vector<32x1024xi1>, vector<32x1024xf32>
    %swap3A_205 = arith.constant 0 : index
    %swap3A_206 = arith.constant 5120 : index
    %swap3A_207 = vector.load %arg6[%swap3A_205, %swap3A_206] : memref<32x12288xf32, #tpu.memory_space<vmem>>, vector<32x1024xf32>
    tpu.vector_store %arg6[%swap3A_205, %swap3A_206], %select_n3A_204 {strides = array<i32>} : memref<32x12288xf32, #tpu.memory_space<vmem>>, vector<32x1024xf32>,
    %slice3A_208 = vector.extract_strided_slice %gt3A_118 {offsets = [0, 6], sizes = [32, 1], strides = [1, 1]} : vector<32x12xi1> to vector<32x1xi1>
    %broadcast_in_dim3A_209 = vector.shape_cast %slice3A_208 : vector<32x1xi1> to vector<32x1xi1>
    %broadcast_in_dim3A_210 = vector.broadcast %broadcast_in_dim3A_209 : vector<32x1xi1> to vector<32x1024xi1>
    %select_n3A_211 = arith.select %broadcast_in_dim3A_210, %convert_element_type3A_70, %sub3A_132 : vector<32x1024xi1>, vector<32x1024xf32>
    %convert_element_type3A_212 = arith.truncf %select_n3A_211 : vector<32x1024xf32> to vector<32x1024xbf16>
    %mul3A_213 = vector.broadcast %div3A_129 : vector<32x1xf32> to vector<32x1024xf32>
    %mul3A_214 = arith.mulf %sub3A_132, %mul3A_213 : vector<32x1024xf32>
    %broadcast_in_dim3A_215 = vector.shape_cast %slice3A_208 : vector<32x1xi1> to vector<32x1xi1>
    %broadcast_in_dim3A_216 = vector.broadcast %broadcast_in_dim3A_215 : vector<32x1xi1> to vector<32x1024xi1>
    %select_n3A_217 = arith.select %broadcast_in_dim3A_216, %convert_element_type3A_70, %mul3A_214 : vector<32x1024xi1>, vector<32x1024xf32>
    %swap3A_218 = arith.constant 0 : index
    %swap3A_219 = arith.constant 6144 : index
    %swap3A_220 = vector.load %arg6[%swap3A_218, %swap3A_219] : memref<32x12288xf32, #tpu.memory_space<vmem>>, vector<32x1024xf32>
    tpu.vector_store %arg6[%swap3A_218, %swap3A_219], %select_n3A_217 {strides = array<i32>} : memref<32x12288xf32, #tpu.memory_space<vmem>>, vector<32x1024xf32>,
    %slice3A_221 = vector.extract_strided_slice %gt3A_118 {offsets = [0, 7], sizes = [32, 1], strides = [1, 1]} : vector<32x12xi1> to vector<32x1xi1>
    %broadcast_in_dim3A_222 = vector.shape_cast %slice3A_221 : vector<32x1xi1> to vector<32x1xi1>
    %broadcast_in_dim3A_223 = vector.broadcast %broadcast_in_dim3A_222 : vector<32x1xi1> to vector<32x1024xi1>
    %select_n3A_224 = arith.select %broadcast_in_dim3A_223, %convert_element_type3A_79, %sub3A_132 : vector<32x1024xi1>, vector<32x1024xf32>
    %convert_element_type3A_225 = arith.truncf %select_n3A_224 : vector<32x1024xf32> to vector<32x1024xbf16>
    %mul3A_226 = vector.broadcast %div3A_129 : vector<32x1xf32> to vector<32x1024xf32>
    %mul3A_227 = arith.mulf %sub3A_132, %mul3A_226 : vector<32x1024xf32>
    %broadcast_in_dim3A_228 = vector.shape_cast %slice3A_221 : vector<32x1xi1> to vector<32x1xi1>
    %broadcast_in_dim3A_229 = vector.broadcast %broadcast_in_dim3A_228 : vector<32x1xi1> to vector<32x1024xi1>
    %select_n3A_230 = arith.select %broadcast_in_dim3A_229, %convert_element_type3A_79, %mul3A_227 : vector<32x1024xi1>, vector<32x1024xf32>
    %swap3A_231 = arith.constant 0 : index
    %swap3A_232 = arith.constant 7168 : index
    %swap3A_233 = vector.load %arg6[%swap3A_231, %swap3A_232] : memref<32x12288xf32, #tpu.memory_space<vmem>>, vector<32x1024xf32>
    tpu.vector_store %arg6[%swap3A_231, %swap3A_232], %select_n3A_230 {strides = array<i32>} : memref<32x12288xf32, #tpu.memory_space<vmem>>, vector<32x1024xf32>,
    %slice3A_234 = vector.extract_strided_slice %gt3A_118 {offsets = [0, 8], sizes = [32, 1], strides = [1, 1]} : vector<32x12xi1> to vector<32x1xi1>
    %broadcast_in_dim3A_235 = vector.shape_cast %slice3A_234 : vector<32x1xi1> to vector<32x1xi1>
    %broadcast_in_dim3A_236 = vector.broadcast %broadcast_in_dim3A_235 : vector<32x1xi1> to vector<32x1024xi1>
    %select_n3A_237 = arith.select %broadcast_in_dim3A_236, %convert_element_type3A_88, %sub3A_132 : vector<32x1024xi1>, vector<32x1024xf32>
    %convert_element_type3A_238 = arith.truncf %select_n3A_237 : vector<32x1024xf32> to vector<32x1024xbf16>
    %mul3A_239 = vector.broadcast %div3A_129 : vector<32x1xf32> to vector<32x1024xf32>
    %mul3A_240 = arith.mulf %sub3A_132, %mul3A_239 : vector<32x1024xf32>
    %broadcast_in_dim3A_241 = vector.shape_cast %slice3A_234 : vector<32x1xi1> to vector<32x1xi1>
    %broadcast_in_dim3A_242 = vector.broadcast %broadcast_in_dim3A_241 : vector<32x1xi1> to vector<32x1024xi1>
    %select_n3A_243 = arith.select %broadcast_in_dim3A_242, %convert_element_type3A_88, %mul3A_240 : vector<32x1024xi1>, vector<32x1024xf32>
    %swap3A_244 = arith.constant 0 : index
    %swap3A_245 = arith.constant 8192 : index
    %swap3A_246 = vector.load %arg6[%swap3A_244, %swap3A_245] : memref<32x12288xf32, #tpu.memory_space<vmem>>, vector<32x1024xf32>
    tpu.vector_store %arg6[%swap3A_244, %swap3A_245], %select_n3A_243 {strides = array<i32>} : memref<32x12288xf32, #tpu.memory_space<vmem>>, vector<32x1024xf32>,
    %slice3A_247 = vector.extract_strided_slice %gt3A_118 {offsets = [0, 9], sizes = [32, 1], strides = [1, 1]} : vector<32x12xi1> to vector<32x1xi1>
    %broadcast_in_dim3A_248 = vector.shape_cast %slice3A_247 : vector<32x1xi1> to vector<32x1xi1>
    %broadcast_in_dim3A_249 = vector.broadcast %broadcast_in_dim3A_248 : vector<32x1xi1> to vector<32x1024xi1>
    %select_n3A_250 = arith.select %broadcast_in_dim3A_249, %convert_element_type3A_97, %sub3A_132 : vector<32x1024xi1>, vector<32x1024xf32>
    %convert_element_type3A_251 = arith.truncf %select_n3A_250 : vector<32x1024xf32> to vector<32x1024xbf16>
    %mul3A_252 = vector.broadcast %div3A_129 : vector<32x1xf32> to vector<32x1024xf32>
    %mul3A_253 = arith.mulf %sub3A_132, %mul3A_252 : vector<32x1024xf32>
    %broadcast_in_dim3A_254 = vector.shape_cast %slice3A_247 : vector<32x1xi1> to vector<32x1xi1>
    %broadcast_in_dim3A_255 = vector.broadcast %broadcast_in_dim3A_254 : vector<32x1xi1> to vector<32x1024xi1>
    %select_n3A_256 = arith.select %broadcast_in_dim3A_255, %convert_element_type3A_97, %mul3A_253 : vector<32x1024xi1>, vector<32x1024xf32>
    %swap3A_257 = arith.constant 0 : index
    %swap3A_258 = arith.constant 9216 : index
    %swap3A_259 = vector.load %arg6[%swap3A_257, %swap3A_258] : memref<32x12288xf32, #tpu.memory_space<vmem>>, vector<32x1024xf32>
    tpu.vector_store %arg6[%swap3A_257, %swap3A_258], %select_n3A_256 {strides = array<i32>} : memref<32x12288xf32, #tpu.memory_space<vmem>>, vector<32x1024xf32>,
    %slice3A_260 = vector.extract_strided_slice %gt3A_118 {offsets = [0, 10], sizes = [32, 1], strides = [1, 1]} : vector<32x12xi1> to vector<32x1xi1>
    %broadcast_in_dim3A_261 = vector.shape_cast %slice3A_260 : vector<32x1xi1> to vector<32x1xi1>
    %broadcast_in_dim3A_262 = vector.broadcast %broadcast_in_dim3A_261 : vector<32x1xi1> to vector<32x1024xi1>
    %select_n3A_263 = arith.select %broadcast_in_dim3A_262, %convert_element_type3A_106, %sub3A_132 : vector<32x1024xi1>, vector<32x1024xf32>
    %convert_element_type3A_264 = arith.truncf %select_n3A_263 : vector<32x1024xf32> to vector<32x1024xbf16>
    %mul3A_265 = vector.broadcast %div3A_129 : vector<32x1xf32> to vector<32x1024xf32>
    %mul3A_266 = arith.mulf %sub3A_132, %mul3A_265 : vector<32x1024xf32>
    %broadcast_in_dim3A_267 = vector.shape_cast %slice3A_260 : vector<32x1xi1> to vector<32x1xi1>
    %broadcast_in_dim3A_268 = vector.broadcast %broadcast_in_dim3A_267 : vector<32x1xi1> to vector<32x1024xi1>
    %select_n3A_269 = arith.select %broadcast_in_dim3A_268, %convert_element_type3A_106, %mul3A_266 : vector<32x1024xi1>, vector<32x1024xf32>
    %swap3A_270 = arith.constant 0 : index
    %swap3A_271 = arith.constant 10240 : index
    %swap3A_272 = vector.load %arg6[%swap3A_270, %swap3A_271] : memref<32x12288xf32, #tpu.memory_space<vmem>>, vector<32x1024xf32>
    tpu.vector_store %arg6[%swap3A_270, %swap3A_271], %select_n3A_269 {strides = array<i32>} : memref<32x12288xf32, #tpu.memory_space<vmem>>, vector<32x1024xf32>,
    %slice3A_273 = vector.extract_strided_slice %gt3A_118 {offsets = [0, 11], sizes = [32, 1], strides = [1, 1]} : vector<32x12xi1> to vector<32x1xi1>
    %broadcast_in_dim3A_274 = vector.shape_cast %slice3A_273 : vector<32x1xi1> to vector<32x1xi1>
    %broadcast_in_dim3A_275 = vector.broadcast %broadcast_in_dim3A_274 : vector<32x1xi1> to vector<32x1024xi1>
    %select_n3A_276 = arith.select %broadcast_in_dim3A_275, %convert_element_type3A_115, %sub3A_132 : vector<32x1024xi1>, vector<32x1024xf32>
    %convert_element_type3A_277 = arith.truncf %select_n3A_276 : vector<32x1024xf32> to vector<32x1024xbf16>
    %mul3A_278 = vector.broadcast %div3A_129 : vector<32x1xf32> to vector<32x1024xf32>
    %mul3A_279 = arith.mulf %sub3A_132, %mul3A_278 : vector<32x1024xf32>
    %broadcast_in_dim3A_280 = vector.shape_cast %slice3A_273 : vector<32x1xi1> to vector<32x1xi1>
    %broadcast_in_dim3A_281 = vector.broadcast %broadcast_in_dim3A_280 : vector<32x1xi1> to vector<32x1024xi1>
    %select_n3A_282 = arith.select %broadcast_in_dim3A_281, %convert_element_type3A_115, %mul3A_279 : vector<32x1024xi1>, vector<32x1024xf32>
    %swap3A_283 = arith.constant 0 : index
    %swap3A_284 = arith.constant 11264 : index
    %swap3A_285 = vector.load %arg6[%swap3A_283, %swap3A_284] : memref<32x12288xf32, #tpu.memory_space<vmem>>, vector<32x1024xf32>
    tpu.vector_store %arg6[%swap3A_283, %swap3A_284], %select_n3A_282 {strides = array<i32>} : memref<32x12288xf32, #tpu.memory_space<vmem>>, vector<32x1024xf32>,
    %concatenate3A = tpu.concatenate %convert_element_type3A_136, %convert_element_type3A_147, %convert_element_type3A_160, %convert_element_type3A_173, %convert_element_type3A_186, %convert_element_type3A_199, %convert_element_type3A_212, %convert_element_type3A_225, %convert_element_type3A_238, %convert_element_type3A_251, %convert_element_type3A_264, %convert_element_type3A_277 in 0 : vector<32x1024xbf16>, vector<32x1024xbf16>, vector<32x1024xbf16>, vector<32x1024xbf16>, vector<32x1024xbf16>, vector<32x1024xbf16>, vector<32x1024xbf16>, vector<32x1024xbf16>, vector<32x1024xbf16>, vector<32x1024xbf16>, vector<32x1024xbf16>, vector<32x1024xbf16> -> vector<384x1024xbf16>
    %get3A_286 = arith.constant 0 : index
    %get3A_287 = arith.constant 0 : index
    %get3A_288 = vector.load %arg5[%get3A_286, %get3A_287] : memref<1024x768xbf16, #tpu.memory_space<vmem>>, vector<1024x768xbf16>
    %dot_general3A = arith.constant dense<0.000000e+00> : vector<384x768xf32>
    %dot_general3A_289 = tpu.matmul %concatenate3A, %get3A_288, %dot_general3A {dimension_numbers = #tpu.dot_dimension_numbers<[1], [0], [0], [1], [0, 0, 1, 1], [], []>, transpose_lhs_hint = false} : vector<384x1024xbf16>, vector<1024x768xbf16>, vector<384x768xf32> -> vector<384x768xf32>
    %slice3A_290 = vector.extract_strided_slice %dot_general3A_289 {offsets = [0, 0], sizes = [32, 768], strides = [1, 1]} : vector<384x768xf32> to vector<32x768xf32>
    %slice3A_291 = vector.extract_strided_slice %gt3A_118 {offsets = [0, 0], sizes = [32, 1], strides = [1, 1]} : vector<32x12xi1> to vector<32x1xi1>
    %jit3A = arith.constant 1.000000e+00 : f32
    %broadcast_in_dim3A_292 = vector.broadcast %jit3A : f32 to vector<32x1xf32>
    %select_n3A_293 = arith.select %slice3A_291, %broadcast_in_dim3A_292, %div3A_129 : vector<32x1xi1>, vector<32x1xf32>
    %mul3A_294 = vector.broadcast %select_n3A_293 : vector<32x1xf32> to vector<32x768xf32>
    %mul3A_295 = arith.mulf %slice3A_290, %mul3A_294 : vector<32x768xf32>
    %slice3A_296 = vector.extract_strided_slice %mul3A_295 {offsets = [0, 0], sizes = [32, 128], strides = [1, 1]} : vector<32x768xf32> to vector<32x128xf32>
    %slice3A_297 = vector.extract_strided_slice %mul3A_295 {offsets = [0, 128], sizes = [32, 128], strides = [1, 1]} : vector<32x768xf32> to vector<32x128xf32>
    %slice3A_298 = vector.extract_strided_slice %mul3A_295 {offsets = [0, 256], sizes = [32, 512], strides = [1, 1]} : vector<32x768xf32> to vector<32x512xf32>
    %slice3A_299 = vector.extract_strided_slice %get3A_4 {offsets = [0, 0], sizes = [32, 1], strides = [1, 1]} : vector<32x12xi32> to vector<32x1xi32>
    %gt3A_300 = arith.constant 0 : i32
    %gt3A_301 = vector.broadcast %gt3A_300 : i32 to vector<32x1xi32>
    %gt3A_302 = arith.cmpi sgt, %slice3A_299, %gt3A_301 : vector<32x1xi32>
    %sub3A_303 = arith.constant 1 : i32
    %sub3A_304 = vector.broadcast %sub3A_303 : i32 to vector<32x1xi32>
    %sub3A_305 = arith.subi %slice3A_299, %sub3A_304 : vector<32x1xi32>
    %eq3A_306 = vector.broadcast %sub3A_305 : vector<32x1xi32> to vector<32x128xi32>
    %eq3A_307 = arith.cmpi eq, %iota3A_11, %eq3A_306 : vector<32x128xi32>
    %convert_element_type3A_308 = arith.extui %eq3A_307 : vector<32x128xi1> to vector<32x128xi32>
    %convert_element_type3A_309 = arith.sitofp %convert_element_type3A_308 : vector<32x128xi32> to vector<32x128xf32>
    %reduce_sum3A_310 = arith.constant dense<0.000000e+00> : vector<32xf32>
    %reduce_sum3A_311 = vector.multi_reduction <add>, %slice3A_296, %reduce_sum3A_310 [1] : vector<32x128xf32> to vector<32xf32>
    %broadcast_in_dim3A_312 = vector.shape_cast %reduce_sum3A_311 : vector<32xf32> to vector<32x1xf32>
    %max3A_313 = arith.constant 1.000000e+00 : f32
    %max3A_314 = vector.broadcast %max3A_313 : f32 to vector<32x1xf32>
    %max3A_315 = arith.maximumf %broadcast_in_dim3A_312, %max3A_314 : vector<32x1xf32>
    %div3A_316 = vector.broadcast %max3A_315 : vector<32x1xf32> to vector<32x128xf32>
    %div3A_317 = arith.divf %slice3A_296, %div3A_316 : vector<32x128xf32>
    %broadcast_in_dim3A_318 = vector.shape_cast %gt3A_302 : vector<32x1xi1> to vector<32x1xi1>
    %broadcast_in_dim3A_319 = vector.broadcast %broadcast_in_dim3A_318 : vector<32x1xi1> to vector<32x128xi1>
    %select_n3A_320 = arith.select %broadcast_in_dim3A_319, %convert_element_type3A_309, %div3A_317 : vector<32x128xi1>, vector<32x128xf32>
    %swap3A_321 = arith.constant 0 : index
    %swap3A_322 = arith.constant 0 : index
    %swap3A_323 = vector.load %arg7[%swap3A_321, %swap3A_322] : memref<32x1536xf32, #tpu.memory_space<vmem>>, vector<32x128xf32>
    tpu.vector_store %arg7[%swap3A_321, %swap3A_322], %select_n3A_320 {strides = array<i32>} : memref<32x1536xf32, #tpu.memory_space<vmem>>, vector<32x128xf32>,
    %slice3A_324 = vector.extract_strided_slice %get3A_7 {offsets = [0, 0], sizes = [32, 1], strides = [1, 1]} : vector<32x12xi32> to vector<32x1xi32>
    %sub3A_325 = arith.constant 1 : i32
    %sub3A_326 = vector.broadcast %sub3A_325 : i32 to vector<32x1xi32>
    %sub3A_327 = arith.subi %slice3A_324, %sub3A_326 : vector<32x1xi32>
    %max3A_328 = arith.constant 0 : i32
    %max3A_329 = vector.broadcast %max3A_328 : i32 to vector<32x1xi32>
    %max3A_330 = arith.maxsi %sub3A_327, %max3A_329 : vector<32x1xi32>
    %eq3A_331 = vector.broadcast %max3A_330 : vector<32x1xi32> to vector<32x128xi32>
    %eq3A_332 = arith.cmpi eq, %iota3A_11, %eq3A_331 : vector<32x128xi32>
    %convert_element_type3A_333 = arith.extui %eq3A_332 : vector<32x128xi1> to vector<32x128xi32>
    %convert_element_type3A_334 = arith.sitofp %convert_element_type3A_333 : vector<32x128xi32> to vector<32x128xf32>
    %reduce_sum3A_335 = arith.constant dense<0.000000e+00> : vector<32xf32>
    %reduce_sum3A_336 = vector.multi_reduction <add>, %slice3A_297, %reduce_sum3A_335 [1] : vector<32x128xf32> to vector<32xf32>
    %broadcast_in_dim3A_337 = vector.shape_cast %reduce_sum3A_336 : vector<32xf32> to vector<32x1xf32>
    %max3A_338 = arith.constant 1.000000e+00 : f32
    %max3A_339 = vector.broadcast %max3A_338 : f32 to vector<32x1xf32>
    %max3A_340 = arith.maximumf %broadcast_in_dim3A_337, %max3A_339 : vector<32x1xf32>
    %div3A_341 = vector.broadcast %max3A_340 : vector<32x1xf32> to vector<32x128xf32>
    %div3A_342 = arith.divf %slice3A_297, %div3A_341 : vector<32x128xf32>
    %broadcast_in_dim3A_343 = vector.shape_cast %gt3A_302 : vector<32x1xi1> to vector<32x1xi1>
    %broadcast_in_dim3A_344 = vector.broadcast %broadcast_in_dim3A_343 : vector<32x1xi1> to vector<32x128xi1>
    %select_n3A_345 = arith.select %broadcast_in_dim3A_344, %convert_element_type3A_334, %div3A_342 : vector<32x128xi1>, vector<32x128xf32>
    %swap3A_346 = arith.constant 0 : index
    %swap3A_347 = arith.constant 0 : index
    %swap3A_348 = vector.load %arg8[%swap3A_346, %swap3A_347] : memref<32x1536xf32, #tpu.memory_space<vmem>>, vector<32x128xf32>
    tpu.vector_store %arg8[%swap3A_346, %swap3A_347], %select_n3A_345 {strides = array<i32>} : memref<32x1536xf32, #tpu.memory_space<vmem>>, vector<32x128xf32>,
    %broadcast_in_dim3A_349 = arith.constant 0.000000e+00 : f32
    %broadcast_in_dim3A_350 = vector.broadcast %broadcast_in_dim3A_349 : f32 to vector<32x512xf32>
    %broadcast_in_dim3A_351 = arith.constant 0 : i32
    %broadcast_in_dim3A_352 = vector.broadcast %broadcast_in_dim3A_351 : i32 to vector<32x1xi32>
    %slice3A_353 = vector.extract_strided_slice %get3A_10 {offsets = [0, 0], sizes = [32, 1], strides = [1, 1]} : vector<32x48xi32> to vector<32x1xi32>
    %sub3A_354 = arith.constant 1 : i32
    %sub3A_355 = vector.broadcast %sub3A_354 : i32 to vector<32x1xi32>
    %sub3A_356 = arith.subi %slice3A_353, %sub3A_355 : vector<32x1xi32>
    %eq3A_357 = vector.broadcast %sub3A_356 : vector<32x1xi32> to vector<32x512xi32>
    %eq3A_358 = arith.cmpi eq, %iota3A_12, %eq3A_357 : vector<32x512xi32>
    %convert_element_type3A_359 = arith.extui %eq3A_358 : vector<32x512xi1> to vector<32x512xi32>
    %convert_element_type3A_360 = arith.sitofp %convert_element_type3A_359 : vector<32x512xi32> to vector<32x512xf32>
    %add3A_361 = arith.addf %broadcast_in_dim3A_350, %convert_element_type3A_360 : vector<32x512xf32>
    %add3A_362 = arith.addi %broadcast_in_dim3A_352, %slice3A_353 : vector<32x1xi32>
    %slice3A_363 = vector.extract_strided_slice %get3A_10 {offsets = [0, 1], sizes = [32, 1], strides = [1, 1]} : vector<32x48xi32> to vector<32x1xi32>
    %sub3A_364 = arith.constant 1 : i32
    %sub3A_365 = vector.broadcast %sub3A_364 : i32 to vector<32x1xi32>
    %sub3A_366 = arith.subi %slice3A_363, %sub3A_365 : vector<32x1xi32>
    %eq3A_367 = vector.broadcast %sub3A_366 : vector<32x1xi32> to vector<32x512xi32>
    %eq3A_368 = arith.cmpi eq, %iota3A_12, %eq3A_367 : vector<32x512xi32>
    %convert_element_type3A_369 = arith.extui %eq3A_368 : vector<32x512xi1> to vector<32x512xi32>
    %convert_element_type3A_370 = arith.sitofp %convert_element_type3A_369 : vector<32x512xi32> to vector<32x512xf32>
    %add3A_371 = arith.addf %add3A_361, %convert_element_type3A_370 : vector<32x512xf32>
    %add3A_372 = arith.addi %add3A_362, %slice3A_363 : vector<32x1xi32>
    %slice3A_373 = vector.extract_strided_slice %get3A_10 {offsets = [0, 2], sizes = [32, 1], strides = [1, 1]} : vector<32x48xi32> to vector<32x1xi32>
    %sub3A_374 = arith.constant 1 : i32
    %sub3A_375 = vector.broadcast %sub3A_374 : i32 to vector<32x1xi32>
    %sub3A_376 = arith.subi %slice3A_373, %sub3A_375 : vector<32x1xi32>
    %eq3A_377 = vector.broadcast %sub3A_376 : vector<32x1xi32> to vector<32x512xi32>
    %eq3A_378 = arith.cmpi eq, %iota3A_12, %eq3A_377 : vector<32x512xi32>
    %convert_element_type3A_379 = arith.extui %eq3A_378 : vector<32x512xi1> to vector<32x512xi32>
    %convert_element_type3A_380 = arith.sitofp %convert_element_type3A_379 : vector<32x512xi32> to vector<32x512xf32>
    %add3A_381 = arith.addf %add3A_371, %convert_element_type3A_380 : vector<32x512xf32>
    %add3A_382 = arith.addi %add3A_372, %slice3A_373 : vector<32x1xi32>
    %slice3A_383 = vector.extract_strided_slice %get3A_10 {offsets = [0, 3], sizes = [32, 1], strides = [1, 1]} : vector<32x48xi32> to vector<32x1xi32>
    %sub3A_384 = arith.constant 1 : i32
    %sub3A_385 = vector.broadcast %sub3A_384 : i32 to vector<32x1xi32>
    %sub3A_386 = arith.subi %slice3A_383, %sub3A_385 : vector<32x1xi32>
    %eq3A_387 = vector.broadcast %sub3A_386 : vector<32x1xi32> to vector<32x512xi32>
    %eq3A_388 = arith.cmpi eq, %iota3A_12, %eq3A_387 : vector<32x512xi32>
    %convert_element_type3A_389 = arith.extui %eq3A_388 : vector<32x512xi1> to vector<32x512xi32>
    %convert_element_type3A_390 = arith.sitofp %convert_element_type3A_389 : vector<32x512xi32> to vector<32x512xf32>
    %add3A_391 = arith.addf %add3A_381, %convert_element_type3A_390 : vector<32x512xf32>
    %add3A_392 = arith.addi %add3A_382, %slice3A_383 : vector<32x1xi32>
    %sub3A_393 = arith.subf %slice3A_298, %add3A_391 : vector<32x512xf32>
    %reduce_sum3A_394 = arith.constant dense<0.000000e+00> : vector<32xf32>
    %reduce_sum3A_395 = vector.multi_reduction <add>, %sub3A_393, %reduce_sum3A_394 [1] : vector<32x512xf32> to vector<32xf32>
    %broadcast_in_dim3A_396 = vector.shape_cast %reduce_sum3A_395 : vector<32xf32> to vector<32x1xf32>
    %max3A_397 = arith.constant 1.000000e+00 : f32
    %max3A_398 = vector.broadcast %max3A_397 : f32 to vector<32x1xf32>
    %max3A_399 = arith.maximumf %broadcast_in_dim3A_396, %max3A_398 : vector<32x1xf32>
    %div3A_400 = vector.broadcast %max3A_399 : vector<32x1xf32> to vector<32x512xf32>
    %div3A_401 = arith.divf %sub3A_393, %div3A_400 : vector<32x512xf32>
    %gt3A_402 = arith.constant 0.000000e+00 : f32
    %gt3A_403 = vector.broadcast %gt3A_402 : f32 to vector<32x512xf32>
    %gt3A_404 = arith.cmpf ogt, %add3A_391, %gt3A_403 : vector<32x512xf32>
    %convert_element_type3A_405 = arith.extui %gt3A_404 : vector<32x512xi1> to vector<32x512xi32>
    %convert_element_type3A_406 = arith.sitofp %convert_element_type3A_405 : vector<32x512xi32> to vector<32x512xf32>
    %reduce_sum3A_407 = arith.constant dense<0.000000e+00> : vector<32xf32>
    %reduce_sum3A_408 = vector.multi_reduction <add>, %convert_element_type3A_406, %reduce_sum3A_407 [1] : vector<32x512xf32> to vector<32xf32>
    %broadcast_in_dim3A_409 = vector.shape_cast %reduce_sum3A_408 : vector<32xf32> to vector<32x1xf32>
    %sub3A_410 = arith.constant 4.000000e+00 : f32
    %sub3A_411 = vector.broadcast %sub3A_410 : f32 to vector<32x1xf32>
    %sub3A_412 = arith.subf %sub3A_411, %broadcast_in_dim3A_409 : vector<32x1xf32>
    %ne3A = arith.constant 0 : i32
    %ne3A_413 = vector.broadcast %ne3A : i32 to vector<32x1xi32>
    %ne3A_414 = arith.cmpi ne, %add3A_392, %ne3A_413 : vector<32x1xi32>
    %and3A = arith.andi %slice3A_291, %ne3A_414 : vector<32x1xi1>
    %mul3A_415 = vector.broadcast %sub3A_412 : vector<32x1xf32> to vector<32x512xf32>
    %mul3A_416 = arith.mulf %mul3A_415, %div3A_401 : vector<32x512xf32>
    %add3A_417 = arith.addf %add3A_391, %mul3A_416 : vector<32x512xf32>
    %mul3A_418 = arith.constant 4.000000e+00 : f32
    %mul3A_419 = vector.broadcast %mul3A_418 : f32 to vector<32x512xf32>
    %mul3A_420 = arith.mulf %mul3A_419, %div3A_401 : vector<32x512xf32>
    %broadcast_in_dim3A_421 = vector.shape_cast %and3A : vector<32x1xi1> to vector<32x1xi1>
    %broadcast_in_dim3A_422 = vector.broadcast %broadcast_in_dim3A_421 : vector<32x1xi1> to vector<32x512xi1>
    %select_n3A_423 = arith.select %broadcast_in_dim3A_422, %add3A_417, %mul3A_420 : vector<32x512xi1>, vector<32x512xf32>
    %swap3A_424 = arith.constant 0 : index
    %swap3A_425 = arith.constant 0 : index
    %swap3A_426 = vector.load %arg9[%swap3A_424, %swap3A_425] : memref<32x6144xf32, #tpu.memory_space<vmem>>, vector<32x512xf32>
    tpu.vector_store %arg9[%swap3A_424, %swap3A_425], %select_n3A_423 {strides = array<i32>} : memref<32x6144xf32, #tpu.memory_space<vmem>>, vector<32x512xf32>,
    %slice3A_427 = vector.extract_strided_slice %dot_general3A_289 {offsets = [32, 0], sizes = [32, 768], strides = [1, 1]} : vector<384x768xf32> to vector<32x768xf32>
    %slice3A_428 = vector.extract_strided_slice %gt3A_118 {offsets = [0, 1], sizes = [32, 1], strides = [1, 1]} : vector<32x12xi1> to vector<32x1xi1>
    %jit3A_429 = arith.constant 1.000000e+00 : f32
    %broadcast_in_dim3A_430 = vector.broadcast %jit3A_429 : f32 to vector<32x1xf32>
    %select_n3A_431 = arith.select %slice3A_428, %broadcast_in_dim3A_430, %div3A_129 : vector<32x1xi1>, vector<32x1xf32>
    %mul3A_432 = vector.broadcast %select_n3A_431 : vector<32x1xf32> to vector<32x768xf32>
    %mul3A_433 = arith.mulf %slice3A_427, %mul3A_432 : vector<32x768xf32>
    %slice3A_434 = vector.extract_strided_slice %mul3A_433 {offsets = [0, 0], sizes = [32, 128], strides = [1, 1]} : vector<32x768xf32> to vector<32x128xf32>
    %slice3A_435 = vector.extract_strided_slice %mul3A_433 {offsets = [0, 128], sizes = [32, 128], strides = [1, 1]} : vector<32x768xf32> to vector<32x128xf32>
    %slice3A_436 = vector.extract_strided_slice %mul3A_433 {offsets = [0, 256], sizes = [32, 512], strides = [1, 1]} : vector<32x768xf32> to vector<32x512xf32>
    %slice3A_437 = vector.extract_strided_slice %get3A_4 {offsets = [0, 1], sizes = [32, 1], strides = [1, 1]} : vector<32x12xi32> to vector<32x1xi32>
    %gt3A_438 = arith.constant 0 : i32
    %gt3A_439 = vector.broadcast %gt3A_438 : i32 to vector<32x1xi32>
    %gt3A_440 = arith.cmpi sgt, %slice3A_437, %gt3A_439 : vector<32x1xi32>
    %sub3A_441 = arith.constant 1 : i32
    %sub3A_442 = vector.broadcast %sub3A_441 : i32 to vector<32x1xi32>
    %sub3A_443 = arith.subi %slice3A_437, %sub3A_442 : vector<32x1xi32>
    %eq3A_444 = vector.broadcast %sub3A_443 : vector<32x1xi32> to vector<32x128xi32>
    %eq3A_445 = arith.cmpi eq, %iota3A_11, %eq3A_444 : vector<32x128xi32>
    %convert_element_type3A_446 = arith.extui %eq3A_445 : vector<32x128xi1> to vector<32x128xi32>
    %convert_element_type3A_447 = arith.sitofp %convert_element_type3A_446 : vector<32x128xi32> to vector<32x128xf32>
    %reduce_sum3A_448 = arith.constant dense<0.000000e+00> : vector<32xf32>
    %reduce_sum3A_449 = vector.multi_reduction <add>, %slice3A_434, %reduce_sum3A_448 [1] : vector<32x128xf32> to vector<32xf32>
    %broadcast_in_dim3A_450 = vector.shape_cast %reduce_sum3A_449 : vector<32xf32> to vector<32x1xf32>
    %max3A_451 = arith.constant 1.000000e+00 : f32
    %max3A_452 = vector.broadcast %max3A_451 : f32 to vector<32x1xf32>
    %max3A_453 = arith.maximumf %broadcast_in_dim3A_450, %max3A_452 : vector<32x1xf32>
    %div3A_454 = vector.broadcast %max3A_453 : vector<32x1xf32> to vector<32x128xf32>
    %div3A_455 = arith.divf %slice3A_434, %div3A_454 : vector<32x128xf32>
    %broadcast_in_dim3A_456 = vector.shape_cast %gt3A_440 : vector<32x1xi1> to vector<32x1xi1>
    %broadcast_in_dim3A_457 = vector.broadcast %broadcast_in_dim3A_456 : vector<32x1xi1> to vector<32x128xi1>
    %select_n3A_458 = arith.select %broadcast_in_dim3A_457, %convert_element_type3A_447, %div3A_455 : vector<32x128xi1>, vector<32x128xf32>
    %swap3A_459 = arith.constant 0 : index
    %swap3A_460 = arith.constant 128 : index
    %swap3A_461 = vector.load %arg7[%swap3A_459, %swap3A_460] : memref<32x1536xf32, #tpu.memory_space<vmem>>, vector<32x128xf32>
    tpu.vector_store %arg7[%swap3A_459, %swap3A_460], %select_n3A_458 {strides = array<i32>} : memref<32x1536xf32, #tpu.memory_space<vmem>>, vector<32x128xf32>,
    %slice3A_462 = vector.extract_strided_slice %get3A_7 {offsets = [0, 1], sizes = [32, 1], strides = [1, 1]} : vector<32x12xi32> to vector<32x1xi32>
    %sub3A_463 = arith.constant 1 : i32
    %sub3A_464 = vector.broadcast %sub3A_463 : i32 to vector<32x1xi32>
    %sub3A_465 = arith.subi %slice3A_462, %sub3A_464 : vector<32x1xi32>
    %max3A_466 = arith.constant 0 : i32
    %max3A_467 = vector.broadcast %max3A_466 : i32 to vector<32x1xi32>
    %max3A_468 = arith.maxsi %sub3A_465, %max3A_467 : vector<32x1xi32>
    %eq3A_469 = vector.broadcast %max3A_468 : vector<32x1xi32> to vector<32x128xi32>
    %eq3A_470 = arith.cmpi eq, %iota3A_11, %eq3A_469 : vector<32x128xi32>
    %convert_element_type3A_471 = arith.extui %eq3A_470 : vector<32x128xi1> to vector<32x128xi32>
    %convert_element_type3A_472 = arith.sitofp %convert_element_type3A_471 : vector<32x128xi32> to vector<32x128xf32>
    %reduce_sum3A_473 = arith.constant dense<0.000000e+00> : vector<32xf32>
    %reduce_sum3A_474 = vector.multi_reduction <add>, %slice3A_435, %reduce_sum3A_473 [1] : vector<32x128xf32> to vector<32xf32>
    %broadcast_in_dim3A_475 = vector.shape_cast %reduce_sum3A_474 : vector<32xf32> to vector<32x1xf32>
    %max3A_476 = arith.constant 1.000000e+00 : f32
    %max3A_477 = vector.broadcast %max3A_476 : f32 to vector<32x1xf32>
    %max3A_478 = arith.maximumf %broadcast_in_dim3A_475, %max3A_477 : vector<32x1xf32>
    %div3A_479 = vector.broadcast %max3A_478 : vector<32x1xf32> to vector<32x128xf32>
    %div3A_480 = arith.divf %slice3A_435, %div3A_479 : vector<32x128xf32>
    %broadcast_in_dim3A_481 = vector.shape_cast %gt3A_440 : vector<32x1xi1> to vector<32x1xi1>
    %broadcast_in_dim3A_482 = vector.broadcast %broadcast_in_dim3A_481 : vector<32x1xi1> to vector<32x128xi1>
    %select_n3A_483 = arith.select %broadcast_in_dim3A_482, %convert_element_type3A_472, %div3A_480 : vector<32x128xi1>, vector<32x128xf32>
    %swap3A_484 = arith.constant 0 : index
    %swap3A_485 = arith.constant 128 : index
    %swap3A_486 = vector.load %arg8[%swap3A_484, %swap3A_485] : memref<32x1536xf32, #tpu.memory_space<vmem>>, vector<32x128xf32>
    tpu.vector_store %arg8[%swap3A_484, %swap3A_485], %select_n3A_483 {strides = array<i32>} : memref<32x1536xf32, #tpu.memory_space<vmem>>, vector<32x128xf32>,
    %broadcast_in_dim3A_487 = arith.constant 0.000000e+00 : f32
    %broadcast_in_dim3A_488 = vector.broadcast %broadcast_in_dim3A_487 : f32 to vector<32x512xf32>
    %broadcast_in_dim3A_489 = arith.constant 0 : i32
    %broadcast_in_dim3A_490 = vector.broadcast %broadcast_in_dim3A_489 : i32 to vector<32x1xi32>
    %slice3A_491 = vector.extract_strided_slice %get3A_10 {offsets = [0, 4], sizes = [32, 1], strides = [1, 1]} : vector<32x48xi32> to vector<32x1xi32>
    %sub3A_492 = arith.constant 1 : i32
    %sub3A_493 = vector.broadcast %sub3A_492 : i32 to vector<32x1xi32>
    %sub3A_494 = arith.subi %slice3A_491, %sub3A_493 : vector<32x1xi32>
    %eq3A_495 = vector.broadcast %sub3A_494 : vector<32x1xi32> to vector<32x512xi32>
    %eq3A_496 = arith.cmpi eq, %iota3A_12, %eq3A_495 : vector<32x512xi32>
    %convert_element_type3A_497 = arith.extui %eq3A_496 : vector<32x512xi1> to vector<32x512xi32>
    %convert_element_type3A_498 = arith.sitofp %convert_element_type3A_497 : vector<32x512xi32> to vector<32x512xf32>
    %add3A_499 = arith.addf %broadcast_in_dim3A_488, %convert_element_type3A_498 : vector<32x512xf32>
    %add3A_500 = arith.addi %broadcast_in_dim3A_490, %slice3A_491 : vector<32x1xi32>
    %slice3A_501 = vector.extract_strided_slice %get3A_10 {offsets = [0, 5], sizes = [32, 1], strides = [1, 1]} : vector<32x48xi32> to vector<32x1xi32>
    %sub3A_502 = arith.constant 1 : i32
    %sub3A_503 = vector.broadcast %sub3A_502 : i32 to vector<32x1xi32>
    %sub3A_504 = arith.subi %slice3A_501, %sub3A_503 : vector<32x1xi32>
    %eq3A_505 = vector.broadcast %sub3A_504 : vector<32x1xi32> to vector<32x512xi32>
    %eq3A_506 = arith.cmpi eq, %iota3A_12, %eq3A_505 : vector<32x512xi32>
    %convert_element_type3A_507 = arith.extui %eq3A_506 : vector<32x512xi1> to vector<32x512xi32>
    %convert_element_type3A_508 = arith.sitofp %convert_element_type3A_507 : vector<32x512xi32> to vector<32x512xf32>
    %add3A_509 = arith.addf %add3A_499, %convert_element_type3A_508 : vector<32x512xf32>
    %add3A_510 = arith.addi %add3A_500, %slice3A_501 : vector<32x1xi32>
    %slice3A_511 = vector.extract_strided_slice %get3A_10 {offsets = [0, 6], sizes = [32, 1], strides = [1, 1]} : vector<32x48xi32> to vector<32x1xi32>
    %sub3A_512 = arith.constant 1 : i32
    %sub3A_513 = vector.broadcast %sub3A_512 : i32 to vector<32x1xi32>
    %sub3A_514 = arith.subi %slice3A_511, %sub3A_513 : vector<32x1xi32>
    %eq3A_515 = vector.broadcast %sub3A_514 : vector<32x1xi32> to vector<32x512xi32>
    %eq3A_516 = arith.cmpi eq, %iota3A_12, %eq3A_515 : vector<32x512xi32>
    %convert_element_type3A_517 = arith.extui %eq3A_516 : vector<32x512xi1> to vector<32x512xi32>
    %convert_element_type3A_518 = arith.sitofp %convert_element_type3A_517 : vector<32x512xi32> to vector<32x512xf32>
    %add3A_519 = arith.addf %add3A_509, %convert_element_type3A_518 : vector<32x512xf32>
    %add3A_520 = arith.addi %add3A_510, %slice3A_511 : vector<32x1xi32>
    %slice3A_521 = vector.extract_strided_slice %get3A_10 {offsets = [0, 7], sizes = [32, 1], strides = [1, 1]} : vector<32x48xi32> to vector<32x1xi32>
    %sub3A_522 = arith.constant 1 : i32
    %sub3A_523 = vector.broadcast %sub3A_522 : i32 to vector<32x1xi32>
    %sub3A_524 = arith.subi %slice3A_521, %sub3A_523 : vector<32x1xi32>
    %eq3A_525 = vector.broadcast %sub3A_524 : vector<32x1xi32> to vector<32x512xi32>
    %eq3A_526 = arith.cmpi eq, %iota3A_12, %eq3A_525 : vector<32x512xi32>
    %convert_element_type3A_527 = arith.extui %eq3A_526 : vector<32x512xi1> to vector<32x512xi32>
    %convert_element_type3A_528 = arith.sitofp %convert_element_type3A_527 : vector<32x512xi32> to vector<32x512xf32>
    %add3A_529 = arith.addf %add3A_519, %convert_element_type3A_528 : vector<32x512xf32>
    %add3A_530 = arith.addi %add3A_520, %slice3A_521 : vector<32x1xi32>
    %sub3A_531 = arith.subf %slice3A_436, %add3A_529 : vector<32x512xf32>
    %reduce_sum3A_532 = arith.constant dense<0.000000e+00> : vector<32xf32>
    %reduce_sum3A_533 = vector.multi_reduction <add>, %sub3A_531, %reduce_sum3A_532 [1] : vector<32x512xf32> to vector<32xf32>
    %broadcast_in_dim3A_534 = vector.shape_cast %reduce_sum3A_533 : vector<32xf32> to vector<32x1xf32>
    %max3A_535 = arith.constant 1.000000e+00 : f32
    %max3A_536 = vector.broadcast %max3A_535 : f32 to vector<32x1xf32>
    %max3A_537 = arith.maximumf %broadcast_in_dim3A_534, %max3A_536 : vector<32x1xf32>
    %div3A_538 = vector.broadcast %max3A_537 : vector<32x1xf32> to vector<32x512xf32>
    %div3A_539 = arith.divf %sub3A_531, %div3A_538 : vector<32x512xf32>
    %gt3A_540 = arith.constant 0.000000e+00 : f32
    %gt3A_541 = vector.broadcast %gt3A_540 : f32 to vector<32x512xf32>
    %gt3A_542 = arith.cmpf ogt, %add3A_529, %gt3A_541 : vector<32x512xf32>
    %convert_element_type3A_543 = arith.extui %gt3A_542 : vector<32x512xi1> to vector<32x512xi32>
    %convert_element_type3A_544 = arith.sitofp %convert_element_type3A_543 : vector<32x512xi32> to vector<32x512xf32>
    %reduce_sum3A_545 = arith.constant dense<0.000000e+00> : vector<32xf32>
    %reduce_sum3A_546 = vector.multi_reduction <add>, %convert_element_type3A_544, %reduce_sum3A_545 [1] : vector<32x512xf32> to vector<32xf32>
    %broadcast_in_dim3A_547 = vector.shape_cast %reduce_sum3A_546 : vector<32xf32> to vector<32x1xf32>
    %sub3A_548 = arith.constant 4.000000e+00 : f32
    %sub3A_549 = vector.broadcast %sub3A_548 : f32 to vector<32x1xf32>
    %sub3A_550 = arith.subf %sub3A_549, %broadcast_in_dim3A_547 : vector<32x1xf32>
    %ne3A_551 = arith.constant 0 : i32
    %ne3A_552 = vector.broadcast %ne3A_551 : i32 to vector<32x1xi32>
    %ne3A_553 = arith.cmpi ne, %add3A_530, %ne3A_552 : vector<32x1xi32>
    %and3A_554 = arith.andi %slice3A_428, %ne3A_553 : vector<32x1xi1>
    %mul3A_555 = vector.broadcast %sub3A_550 : vector<32x1xf32> to vector<32x512xf32>
    %mul3A_556 = arith.mulf %mul3A_555, %div3A_539 : vector<32x512xf32>
    %add3A_557 = arith.addf %add3A_529, %mul3A_556 : vector<32x512xf32>
    %mul3A_558 = arith.constant 4.000000e+00 : f32
    %mul3A_559 = vector.broadcast %mul3A_558 : f32 to vector<32x512xf32>
    %mul3A_560 = arith.mulf %mul3A_559, %div3A_539 : vector<32x512xf32>
    %broadcast_in_dim3A_561 = vector.shape_cast %and3A_554 : vector<32x1xi1> to vector<32x1xi1>
    %broadcast_in_dim3A_562 = vector.broadcast %broadcast_in_dim3A_561 : vector<32x1xi1> to vector<32x512xi1>
    %select_n3A_563 = arith.select %broadcast_in_dim3A_562, %add3A_557, %mul3A_560 : vector<32x512xi1>, vector<32x512xf32>
    %swap3A_564 = arith.constant 0 : index
    %swap3A_565 = arith.constant 512 : index
    %swap3A_566 = vector.load %arg9[%swap3A_564, %swap3A_565] : memref<32x6144xf32, #tpu.memory_space<vmem>>, vector<32x512xf32>
    tpu.vector_store %arg9[%swap3A_564, %swap3A_565], %select_n3A_563 {strides = array<i32>} : memref<32x6144xf32, #tpu.memory_space<vmem>>, vector<32x512xf32>,
    %slice3A_567 = vector.extract_strided_slice %dot_general3A_289 {offsets = [64, 0], sizes = [32, 768], strides = [1, 1]} : vector<384x768xf32> to vector<32x768xf32>
    %slice3A_568 = vector.extract_strided_slice %gt3A_118 {offsets = [0, 2], sizes = [32, 1], strides = [1, 1]} : vector<32x12xi1> to vector<32x1xi1>
    %jit3A_569 = arith.constant 1.000000e+00 : f32
    %broadcast_in_dim3A_570 = vector.broadcast %jit3A_569 : f32 to vector<32x1xf32>
    %select_n3A_571 = arith.select %slice3A_568, %broadcast_in_dim3A_570, %div3A_129 : vector<32x1xi1>, vector<32x1xf32>
    %mul3A_572 = vector.broadcast %select_n3A_571 : vector<32x1xf32> to vector<32x768xf32>
    %mul3A_573 = arith.mulf %slice3A_567, %mul3A_572 : vector<32x768xf32>
    %slice3A_574 = vector.extract_strided_slice %mul3A_573 {offsets = [0, 0], sizes = [32, 128], strides = [1, 1]} : vector<32x768xf32> to vector<32x128xf32>
    %slice3A_575 = vector.extract_strided_slice %mul3A_573 {offsets = [0, 128], sizes = [32, 128], strides = [1, 1]} : vector<32x768xf32> to vector<32x128xf32>
    %slice3A_576 = vector.extract_strided_slice %mul3A_573 {offsets = [0, 256], sizes = [32, 512], strides = [1, 1]} : vector<32x768xf32> to vector<32x512xf32>
    %slice3A_577 = vector.extract_strided_slice %get3A_4 {offsets = [0, 2], sizes = [32, 1], strides = [1, 1]} : vector<32x12xi32> to vector<32x1xi32>
    %gt3A_578 = arith.constant 0 : i32
    %gt3A_579 = vector.broadcast %gt3A_578 : i32 to vector<32x1xi32>
    %gt3A_580 = arith.cmpi sgt, %slice3A_577, %gt3A_579 : vector<32x1xi32>
    %sub3A_581 = arith.constant 1 : i32
    %sub3A_582 = vector.broadcast %sub3A_581 : i32 to vector<32x1xi32>
    %sub3A_583 = arith.subi %slice3A_577, %sub3A_582 : vector<32x1xi32>
    %eq3A_584 = vector.broadcast %sub3A_583 : vector<32x1xi32> to vector<32x128xi32>
    %eq3A_585 = arith.cmpi eq, %iota3A_11, %eq3A_584 : vector<32x128xi32>
    %convert_element_type3A_586 = arith.extui %eq3A_585 : vector<32x128xi1> to vector<32x128xi32>
    %convert_element_type3A_587 = arith.sitofp %convert_element_type3A_586 : vector<32x128xi32> to vector<32x128xf32>
    %reduce_sum3A_588 = arith.constant dense<0.000000e+00> : vector<32xf32>
    %reduce_sum3A_589 = vector.multi_reduction <add>, %slice3A_574, %reduce_sum3A_588 [1] : vector<32x128xf32> to vector<32xf32>
    %broadcast_in_dim3A_590 = vector.shape_cast %reduce_sum3A_589 : vector<32xf32> to vector<32x1xf32>
    %max3A_591 = arith.constant 1.000000e+00 : f32
    %max3A_592 = vector.broadcast %max3A_591 : f32 to vector<32x1xf32>
    %max3A_593 = arith.maximumf %broadcast_in_dim3A_590, %max3A_592 : vector<32x1xf32>
    %div3A_594 = vector.broadcast %max3A_593 : vector<32x1xf32> to vector<32x128xf32>
    %div3A_595 = arith.divf %slice3A_574, %div3A_594 : vector<32x128xf32>
    %broadcast_in_dim3A_596 = vector.shape_cast %gt3A_580 : vector<32x1xi1> to vector<32x1xi1>
    %broadcast_in_dim3A_597 = vector.broadcast %broadcast_in_dim3A_596 : vector<32x1xi1> to vector<32x128xi1>
    %select_n3A_598 = arith.select %broadcast_in_dim3A_597, %convert_element_type3A_587, %div3A_595 : vector<32x128xi1>, vector<32x128xf32>
    %swap3A_599 = arith.constant 0 : index
    %swap3A_600 = arith.constant 256 : index
    %swap3A_601 = vector.load %arg7[%swap3A_599, %swap3A_600] : memref<32x1536xf32, #tpu.memory_space<vmem>>, vector<32x128xf32>
    tpu.vector_store %arg7[%swap3A_599, %swap3A_600], %select_n3A_598 {strides = array<i32>} : memref<32x1536xf32, #tpu.memory_space<vmem>>, vector<32x128xf32>,
    %slice3A_602 = vector.extract_strided_slice %get3A_7 {offsets = [0, 2], sizes = [32, 1], strides = [1, 1]} : vector<32x12xi32> to vector<32x1xi32>
    %sub3A_603 = arith.constant 1 : i32
    %sub3A_604 = vector.broadcast %sub3A_603 : i32 to vector<32x1xi32>
    %sub3A_605 = arith.subi %slice3A_602, %sub3A_604 : vector<32x1xi32>
    %max3A_606 = arith.constant 0 : i32
    %max3A_607 = vector.broadcast %max3A_606 : i32 to vector<32x1xi32>
    %max3A_608 = arith.maxsi %sub3A_605, %max3A_607 : vector<32x1xi32>
    %eq3A_609 = vector.broadcast %max3A_608 : vector<32x1xi32> to vector<32x128xi32>
    %eq3A_610 = arith.cmpi eq, %iota3A_11, %eq3A_609 : vector<32x128xi32>
    %convert_element_type3A_611 = arith.extui %eq3A_610 : vector<32x128xi1> to vector<32x128xi32>
    %convert_element_type3A_612 = arith.sitofp %convert_element_type3A_611 : vector<32x128xi32> to vector<32x128xf32>
    %reduce_sum3A_613 = arith.constant dense<0.000000e+00> : vector<32xf32>
    %reduce_sum3A_614 = vector.multi_reduction <add>, %slice3A_575, %reduce_sum3A_613 [1] : vector<32x128xf32> to vector<32xf32>
    %broadcast_in_dim3A_615 = vector.shape_cast %reduce_sum3A_614 : vector<32xf32> to vector<32x1xf32>
    %max3A_616 = arith.constant 1.000000e+00 : f32
    %max3A_617 = vector.broadcast %max3A_616 : f32 to vector<32x1xf32>
    %max3A_618 = arith.maximumf %broadcast_in_dim3A_615, %max3A_617 : vector<32x1xf32>
    %div3A_619 = vector.broadcast %max3A_618 : vector<32x1xf32> to vector<32x128xf32>
    %div3A_620 = arith.divf %slice3A_575, %div3A_619 : vector<32x128xf32>
    %broadcast_in_dim3A_621 = vector.shape_cast %gt3A_580 : vector<32x1xi1> to vector<32x1xi1>
    %broadcast_in_dim3A_622 = vector.broadcast %broadcast_in_dim3A_621 : vector<32x1xi1> to vector<32x128xi1>
    %select_n3A_623 = arith.select %broadcast_in_dim3A_622, %convert_element_type3A_612, %div3A_620 : vector<32x128xi1>, vector<32x128xf32>
    %swap3A_624 = arith.constant 0 : index
    %swap3A_625 = arith.constant 256 : index
    %swap3A_626 = vector.load %arg8[%swap3A_624, %swap3A_625] : memref<32x1536xf32, #tpu.memory_space<vmem>>, vector<32x128xf32>
    tpu.vector_store %arg8[%swap3A_624, %swap3A_625], %select_n3A_623 {strides = array<i32>} : memref<32x1536xf32, #tpu.memory_space<vmem>>, vector<32x128xf32>,
    %broadcast_in_dim3A_627 = arith.constant 0.000000e+00 : f32
    %broadcast_in_dim3A_628 = vector.broadcast %broadcast_in_dim3A_627 : f32 to vector<32x512xf32>
    %broadcast_in_dim3A_629 = arith.constant 0 : i32
    %broadcast_in_dim3A_630 = vector.broadcast %broadcast_in_dim3A_629 : i32 to vector<32x1xi32>
    %slice3A_631 = vector.extract_strided_slice %get3A_10 {offsets = [0, 8], sizes = [32, 1], strides = [1, 1]} : vector<32x48xi32> to vector<32x1xi32>
    %sub3A_632 = arith.constant 1 : i32
    %sub3A_633 = vector.broadcast %sub3A_632 : i32 to vector<32x1xi32>
    %sub3A_634 = arith.subi %slice3A_631, %sub3A_633 : vector<32x1xi32>
    %eq3A_635 = vector.broadcast %sub3A_634 : vector<32x1xi32> to vector<32x512xi32>
    %eq3A_636 = arith.cmpi eq, %iota3A_12, %eq3A_635 : vector<32x512xi32>
    %convert_element_type3A_637 = arith.extui %eq3A_636 : vector<32x512xi1> to vector<32x512xi32>
    %convert_element_type3A_638 = arith.sitofp %convert_element_type3A_637 : vector<32x512xi32> to vector<32x512xf32>
    %add3A_639 = arith.addf %broadcast_in_dim3A_628, %convert_element_type3A_638 : vector<32x512xf32>
    %add3A_640 = arith.addi %broadcast_in_dim3A_630, %slice3A_631 : vector<32x1xi32>
    %slice3A_641 = vector.extract_strided_slice %get3A_10 {offsets = [0, 9], sizes = [32, 1], strides = [1, 1]} : vector<32x48xi32> to vector<32x1xi32>
    %sub3A_642 = arith.constant 1 : i32
    %sub3A_643 = vector.broadcast %sub3A_642 : i32 to vector<32x1xi32>
    %sub3A_644 = arith.subi %slice3A_641, %sub3A_643 : vector<32x1xi32>
    %eq3A_645 = vector.broadcast %sub3A_644 : vector<32x1xi32> to vector<32x512xi32>
    %eq3A_646 = arith.cmpi eq, %iota3A_12, %eq3A_645 : vector<32x512xi32>
    %convert_element_type3A_647 = arith.extui %eq3A_646 : vector<32x512xi1> to vector<32x512xi32>
    %convert_element_type3A_648 = arith.sitofp %convert_element_type3A_647 : vector<32x512xi32> to vector<32x512xf32>
    %add3A_649 = arith.addf %add3A_639, %convert_element_type3A_648 : vector<32x512xf32>
    %add3A_650 = arith.addi %add3A_640, %slice3A_641 : vector<32x1xi32>
    %slice3A_651 = vector.extract_strided_slice %get3A_10 {offsets = [0, 10], sizes = [32, 1], strides = [1, 1]} : vector<32x48xi32> to vector<32x1xi32>
    %sub3A_652 = arith.constant 1 : i32
    %sub3A_653 = vector.broadcast %sub3A_652 : i32 to vector<32x1xi32>
    %sub3A_654 = arith.subi %slice3A_651, %sub3A_653 : vector<32x1xi32>
    %eq3A_655 = vector.broadcast %sub3A_654 : vector<32x1xi32> to vector<32x512xi32>
    %eq3A_656 = arith.cmpi eq, %iota3A_12, %eq3A_655 : vector<32x512xi32>
    %convert_element_type3A_657 = arith.extui %eq3A_656 : vector<32x512xi1> to vector<32x512xi32>
    %convert_element_type3A_658 = arith.sitofp %convert_element_type3A_657 : vector<32x512xi32> to vector<32x512xf32>
    %add3A_659 = arith.addf %add3A_649, %convert_element_type3A_658 : vector<32x512xf32>
    %add3A_660 = arith.addi %add3A_650, %slice3A_651 : vector<32x1xi32>
    %slice3A_661 = vector.extract_strided_slice %get3A_10 {offsets = [0, 11], sizes = [32, 1], strides = [1, 1]} : vector<32x48xi32> to vector<32x1xi32>
    %sub3A_662 = arith.constant 1 : i32
    %sub3A_663 = vector.broadcast %sub3A_662 : i32 to vector<32x1xi32>
    %sub3A_664 = arith.subi %slice3A_661, %sub3A_663 : vector<32x1xi32>
    %eq3A_665 = vector.broadcast %sub3A_664 : vector<32x1xi32> to vector<32x512xi32>
    %eq3A_666 = arith.cmpi eq, %iota3A_12, %eq3A_665 : vector<32x512xi32>
    %convert_element_type3A_667 = arith.extui %eq3A_666 : vector<32x512xi1> to vector<32x512xi32>
    %convert_element_type3A_668 = arith.sitofp %convert_element_type3A_667 : vector<32x512xi32> to vector<32x512xf32>
    %add3A_669 = arith.addf %add3A_659, %convert_element_type3A_668 : vector<32x512xf32>
    %add3A_670 = arith.addi %add3A_660, %slice3A_661 : vector<32x1xi32>
    %sub3A_671 = arith.subf %slice3A_576, %add3A_669 : vector<32x512xf32>
    %reduce_sum3A_672 = arith.constant dense<0.000000e+00> : vector<32xf32>
    %reduce_sum3A_673 = vector.multi_reduction <add>, %sub3A_671, %reduce_sum3A_672 [1] : vector<32x512xf32> to vector<32xf32>
    %broadcast_in_dim3A_674 = vector.shape_cast %reduce_sum3A_673 : vector<32xf32> to vector<32x1xf32>
    %max3A_675 = arith.constant 1.000000e+00 : f32
    %max3A_676 = vector.broadcast %max3A_675 : f32 to vector<32x1xf32>
    %max3A_677 = arith.maximumf %broadcast_in_dim3A_674, %max3A_676 : vector<32x1xf32>
    %div3A_678 = vector.broadcast %max3A_677 : vector<32x1xf32> to vector<32x512xf32>
    %div3A_679 = arith.divf %sub3A_671, %div3A_678 : vector<32x512xf32>
    %gt3A_680 = arith.constant 0.000000e+00 : f32
    %gt3A_681 = vector.broadcast %gt3A_680 : f32 to vector<32x512xf32>
    %gt3A_682 = arith.cmpf ogt, %add3A_669, %gt3A_681 : vector<32x512xf32>
    %convert_element_type3A_683 = arith.extui %gt3A_682 : vector<32x512xi1> to vector<32x512xi32>
    %convert_element_type3A_684 = arith.sitofp %convert_element_type3A_683 : vector<32x512xi32> to vector<32x512xf32>
    %reduce_sum3A_685 = arith.constant dense<0.000000e+00> : vector<32xf32>
    %reduce_sum3A_686 = vector.multi_reduction <add>, %convert_element_type3A_684, %reduce_sum3A_685 [1] : vector<32x512xf32> to vector<32xf32>
    %broadcast_in_dim3A_687 = vector.shape_cast %reduce_sum3A_686 : vector<32xf32> to vector<32x1xf32>
    %sub3A_688 = arith.constant 4.000000e+00 : f32
    %sub3A_689 = vector.broadcast %sub3A_688 : f32 to vector<32x1xf32>
    %sub3A_690 = arith.subf %sub3A_689, %broadcast_in_dim3A_687 : vector<32x1xf32>
    %ne3A_691 = arith.constant 0 : i32
    %ne3A_692 = vector.broadcast %ne3A_691 : i32 to vector<32x1xi32>
    %ne3A_693 = arith.cmpi ne, %add3A_670, %ne3A_692 : vector<32x1xi32>
    %and3A_694 = arith.andi %slice3A_568, %ne3A_693 : vector<32x1xi1>
    %mul3A_695 = vector.broadcast %sub3A_690 : vector<32x1xf32> to vector<32x512xf32>
    %mul3A_696 = arith.mulf %mul3A_695, %div3A_679 : vector<32x512xf32>
    %add3A_697 = arith.addf %add3A_669, %mul3A_696 : vector<32x512xf32>
    %mul3A_698 = arith.constant 4.000000e+00 : f32
    %mul3A_699 = vector.broadcast %mul3A_698 : f32 to vector<32x512xf32>
    %mul3A_700 = arith.mulf %mul3A_699, %div3A_679 : vector<32x512xf32>
    %broadcast_in_dim3A_701 = vector.shape_cast %and3A_694 : vector<32x1xi1> to vector<32x1xi1>
    %broadcast_in_dim3A_702 = vector.broadcast %broadcast_in_dim3A_701 : vector<32x1xi1> to vector<32x512xi1>
    %select_n3A_703 = arith.select %broadcast_in_dim3A_702, %add3A_697, %mul3A_700 : vector<32x512xi1>, vector<32x512xf32>
    %swap3A_704 = arith.constant 0 : index
    %swap3A_705 = arith.constant 1024 : index
    %swap3A_706 = vector.load %arg9[%swap3A_704, %swap3A_705] : memref<32x6144xf32, #tpu.memory_space<vmem>>, vector<32x512xf32>
    tpu.vector_store %arg9[%swap3A_704, %swap3A_705], %select_n3A_703 {strides = array<i32>} : memref<32x6144xf32, #tpu.memory_space<vmem>>, vector<32x512xf32>,
    %slice3A_707 = vector.extract_strided_slice %dot_general3A_289 {offsets = [96, 0], sizes = [32, 768], strides = [1, 1]} : vector<384x768xf32> to vector<32x768xf32>
    %slice3A_708 = vector.extract_strided_slice %gt3A_118 {offsets = [0, 3], sizes = [32, 1], strides = [1, 1]} : vector<32x12xi1> to vector<32x1xi1>
    %jit3A_709 = arith.constant 1.000000e+00 : f32
    %broadcast_in_dim3A_710 = vector.broadcast %jit3A_709 : f32 to vector<32x1xf32>
    %select_n3A_711 = arith.select %slice3A_708, %broadcast_in_dim3A_710, %div3A_129 : vector<32x1xi1>, vector<32x1xf32>
    %mul3A_712 = vector.broadcast %select_n3A_711 : vector<32x1xf32> to vector<32x768xf32>
    %mul3A_713 = arith.mulf %slice3A_707, %mul3A_712 : vector<32x768xf32>
    %slice3A_714 = vector.extract_strided_slice %mul3A_713 {offsets = [0, 0], sizes = [32, 128], strides = [1, 1]} : vector<32x768xf32> to vector<32x128xf32>
    %slice3A_715 = vector.extract_strided_slice %mul3A_713 {offsets = [0, 128], sizes = [32, 128], strides = [1, 1]} : vector<32x768xf32> to vector<32x128xf32>
    %slice3A_716 = vector.extract_strided_slice %mul3A_713 {offsets = [0, 256], sizes = [32, 512], strides = [1, 1]} : vector<32x768xf32> to vector<32x512xf32>
    %slice3A_717 = vector.extract_strided_slice %get3A_4 {offsets = [0, 3], sizes = [32, 1], strides = [1, 1]} : vector<32x12xi32> to vector<32x1xi32>
    %gt3A_718 = arith.constant 0 : i32
    %gt3A_719 = vector.broadcast %gt3A_718 : i32 to vector<32x1xi32>
    %gt3A_720 = arith.cmpi sgt, %slice3A_717, %gt3A_719 : vector<32x1xi32>
    %sub3A_721 = arith.constant 1 : i32
    %sub3A_722 = vector.broadcast %sub3A_721 : i32 to vector<32x1xi32>
    %sub3A_723 = arith.subi %slice3A_717, %sub3A_722 : vector<32x1xi32>
    %eq3A_724 = vector.broadcast %sub3A_723 : vector<32x1xi32> to vector<32x128xi32>
    %eq3A_725 = arith.cmpi eq, %iota3A_11, %eq3A_724 : vector<32x128xi32>
    %convert_element_type3A_726 = arith.extui %eq3A_725 : vector<32x128xi1> to vector<32x128xi32>
    %convert_element_type3A_727 = arith.sitofp %convert_element_type3A_726 : vector<32x128xi32> to vector<32x128xf32>
    %reduce_sum3A_728 = arith.constant dense<0.000000e+00> : vector<32xf32>
    %reduce_sum3A_729 = vector.multi_reduction <add>, %slice3A_714, %reduce_sum3A_728 [1] : vector<32x128xf32> to vector<32xf32>
    %broadcast_in_dim3A_730 = vector.shape_cast %reduce_sum3A_729 : vector<32xf32> to vector<32x1xf32>
    %max3A_731 = arith.constant 1.000000e+00 : f32
    %max3A_732 = vector.broadcast %max3A_731 : f32 to vector<32x1xf32>
    %max3A_733 = arith.maximumf %broadcast_in_dim3A_730, %max3A_732 : vector<32x1xf32>
    %div3A_734 = vector.broadcast %max3A_733 : vector<32x1xf32> to vector<32x128xf32>
    %div3A_735 = arith.divf %slice3A_714, %div3A_734 : vector<32x128xf32>
    %broadcast_in_dim3A_736 = vector.shape_cast %gt3A_720 : vector<32x1xi1> to vector<32x1xi1>
    %broadcast_in_dim3A_737 = vector.broadcast %broadcast_in_dim3A_736 : vector<32x1xi1> to vector<32x128xi1>
    %select_n3A_738 = arith.select %broadcast_in_dim3A_737, %convert_element_type3A_727, %div3A_735 : vector<32x128xi1>, vector<32x128xf32>
    %swap3A_739 = arith.constant 0 : index
    %swap3A_740 = arith.constant 384 : index
    %swap3A_741 = vector.load %arg7[%swap3A_739, %swap3A_740] : memref<32x1536xf32, #tpu.memory_space<vmem>>, vector<32x128xf32>
    tpu.vector_store %arg7[%swap3A_739, %swap3A_740], %select_n3A_738 {strides = array<i32>} : memref<32x1536xf32, #tpu.memory_space<vmem>>, vector<32x128xf32>,
    %slice3A_742 = vector.extract_strided_slice %get3A_7 {offsets = [0, 3], sizes = [32, 1], strides = [1, 1]} : vector<32x12xi32> to vector<32x1xi32>
    %sub3A_743 = arith.constant 1 : i32
    %sub3A_744 = vector.broadcast %sub3A_743 : i32 to vector<32x1xi32>
    %sub3A_745 = arith.subi %slice3A_742, %sub3A_744 : vector<32x1xi32>
    %max3A_746 = arith.constant 0 : i32
    %max3A_747 = vector.broadcast %max3A_746 : i32 to vector<32x1xi32>
    %max3A_748 = arith.maxsi %sub3A_745, %max3A_747 : vector<32x1xi32>
    %eq3A_749 = vector.broadcast %max3A_748 : vector<32x1xi32> to vector<32x128xi32>
    %eq3A_750 = arith.cmpi eq, %iota3A_11, %eq3A_749 : vector<32x128xi32>
    %convert_element_type3A_751 = arith.extui %eq3A_750 : vector<32x128xi1> to vector<32x128xi32>
    %convert_element_type3A_752 = arith.sitofp %convert_element_type3A_751 : vector<32x128xi32> to vector<32x128xf32>
    %reduce_sum3A_753 = arith.constant dense<0.000000e+00> : vector<32xf32>
    %reduce_sum3A_754 = vector.multi_reduction <add>, %slice3A_715, %reduce_sum3A_753 [1] : vector<32x128xf32> to vector<32xf32>
    %broadcast_in_dim3A_755 = vector.shape_cast %reduce_sum3A_754 : vector<32xf32> to vector<32x1xf32>
    %max3A_756 = arith.constant 1.000000e+00 : f32
    %max3A_757 = vector.broadcast %max3A_756 : f32 to vector<32x1xf32>
    %max3A_758 = arith.maximumf %broadcast_in_dim3A_755, %max3A_757 : vector<32x1xf32>
    %div3A_759 = vector.broadcast %max3A_758 : vector<32x1xf32> to vector<32x128xf32>
    %div3A_760 = arith.divf %slice3A_715, %div3A_759 : vector<32x128xf32>
    %broadcast_in_dim3A_761 = vector.shape_cast %gt3A_720 : vector<32x1xi1> to vector<32x1xi1>
    %broadcast_in_dim3A_762 = vector.broadcast %broadcast_in_dim3A_761 : vector<32x1xi1> to vector<32x128xi1>
    %select_n3A_763 = arith.select %broadcast_in_dim3A_762, %convert_element_type3A_752, %div3A_760 : vector<32x128xi1>, vector<32x128xf32>
    %swap3A_764 = arith.constant 0 : index
    %swap3A_765 = arith.constant 384 : index
    %swap3A_766 = vector.load %arg8[%swap3A_764, %swap3A_765] : memref<32x1536xf32, #tpu.memory_space<vmem>>, vector<32x128xf32>
    tpu.vector_store %arg8[%swap3A_764, %swap3A_765], %select_n3A_763 {strides = array<i32>} : memref<32x1536xf32, #tpu.memory_space<vmem>>, vector<32x128xf32>,
    %broadcast_in_dim3A_767 = arith.constant 0.000000e+00 : f32
    %broadcast_in_dim3A_768 = vector.broadcast %broadcast_in_dim3A_767 : f32 to vector<32x512xf32>
    %broadcast_in_dim3A_769 = arith.constant 0 : i32
    %broadcast_in_dim3A_770 = vector.broadcast %broadcast_in_dim3A_769 : i32 to vector<32x1xi32>
    %slice3A_771 = vector.extract_strided_slice %get3A_10 {offsets = [0, 12], sizes = [32, 1], strides = [1, 1]} : vector<32x48xi32> to vector<32x1xi32>
    %sub3A_772 = arith.constant 1 : i32
    %sub3A_773 = vector.broadcast %sub3A_772 : i32 to vector<32x1xi32>
    %sub3A_774 = arith.subi %slice3A_771, %sub3A_773 : vector<32x1xi32>
    %eq3A_775 = vector.broadcast %sub3A_774 : vector<32x1xi32> to vector<32x512xi32>
    %eq3A_776 = arith.cmpi eq, %iota3A_12, %eq3A_775 : vector<32x512xi32>
    %convert_element_type3A_777 = arith.extui %eq3A_776 : vector<32x512xi1> to vector<32x512xi32>
    %convert_element_type3A_778 = arith.sitofp %convert_element_type3A_777 : vector<32x512xi32> to vector<32x512xf32>
    %add3A_779 = arith.addf %broadcast_in_dim3A_768, %convert_element_type3A_778 : vector<32x512xf32>
    %add3A_780 = arith.addi %broadcast_in_dim3A_770, %slice3A_771 : vector<32x1xi32>
    %slice3A_781 = vector.extract_strided_slice %get3A_10 {offsets = [0, 13], sizes = [32, 1], strides = [1, 1]} : vector<32x48xi32> to vector<32x1xi32>
    %sub3A_782 = arith.constant 1 : i32
    %sub3A_783 = vector.broadcast %sub3A_782 : i32 to vector<32x1xi32>
    %sub3A_784 = arith.subi %slice3A_781, %sub3A_783 : vector<32x1xi32>
    %eq3A_785 = vector.broadcast %sub3A_784 : vector<32x1xi32> to vector<32x512xi32>
    %eq3A_786 = arith.cmpi eq, %iota3A_12, %eq3A_785 : vector<32x512xi32>
    %convert_element_type3A_787 = arith.extui %eq3A_786 : vector<32x512xi1> to vector<32x512xi32>
    %convert_element_type3A_788 = arith.sitofp %convert_element_type3A_787 : vector<32x512xi32> to vector<32x512xf32>
    %add3A_789 = arith.addf %add3A_779, %convert_element_type3A_788 : vector<32x512xf32>
    %add3A_790 = arith.addi %add3A_780, %slice3A_781 : vector<32x1xi32>
    %slice3A_791 = vector.extract_strided_slice %get3A_10 {offsets = [0, 14], sizes = [32, 1], strides = [1, 1]} : vector<32x48xi32> to vector<32x1xi32>
    %sub3A_792 = arith.constant 1 : i32
    %sub3A_793 = vector.broadcast %sub3A_792 : i32 to vector<32x1xi32>
    %sub3A_794 = arith.subi %slice3A_791, %sub3A_793 : vector<32x1xi32>
    %eq3A_795 = vector.broadcast %sub3A_794 : vector<32x1xi32> to vector<32x512xi32>
    %eq3A_796 = arith.cmpi eq, %iota3A_12, %eq3A_795 : vector<32x512xi32>
    %convert_element_type3A_797 = arith.extui %eq3A_796 : vector<32x512xi1> to vector<32x512xi32>
    %convert_element_type3A_798 = arith.sitofp %convert_element_type3A_797 : vector<32x512xi32> to vector<32x512xf32>
    %add3A_799 = arith.addf %add3A_789, %convert_element_type3A_798 : vector<32x512xf32>
    %add3A_800 = arith.addi %add3A_790, %slice3A_791 : vector<32x1xi32>
    %slice3A_801 = vector.extract_strided_slice %get3A_10 {offsets = [0, 15], sizes = [32, 1], strides = [1, 1]} : vector<32x48xi32> to vector<32x1xi32>
    %sub3A_802 = arith.constant 1 : i32
    %sub3A_803 = vector.broadcast %sub3A_802 : i32 to vector<32x1xi32>
    %sub3A_804 = arith.subi %slice3A_801, %sub3A_803 : vector<32x1xi32>
    %eq3A_805 = vector.broadcast %sub3A_804 : vector<32x1xi32> to vector<32x512xi32>
    %eq3A_806 = arith.cmpi eq, %iota3A_12, %eq3A_805 : vector<32x512xi32>
    %convert_element_type3A_807 = arith.extui %eq3A_806 : vector<32x512xi1> to vector<32x512xi32>
    %convert_element_type3A_808 = arith.sitofp %convert_element_type3A_807 : vector<32x512xi32> to vector<32x512xf32>
    %add3A_809 = arith.addf %add3A_799, %convert_element_type3A_808 : vector<32x512xf32>
    %add3A_810 = arith.addi %add3A_800, %slice3A_801 : vector<32x1xi32>
    %sub3A_811 = arith.subf %slice3A_716, %add3A_809 : vector<32x512xf32>
    %reduce_sum3A_812 = arith.constant dense<0.000000e+00> : vector<32xf32>
    %reduce_sum3A_813 = vector.multi_reduction <add>, %sub3A_811, %reduce_sum3A_812 [1] : vector<32x512xf32> to vector<32xf32>
    %broadcast_in_dim3A_814 = vector.shape_cast %reduce_sum3A_813 : vector<32xf32> to vector<32x1xf32>
    %max3A_815 = arith.constant 1.000000e+00 : f32
    %max3A_816 = vector.broadcast %max3A_815 : f32 to vector<32x1xf32>
    %max3A_817 = arith.maximumf %broadcast_in_dim3A_814, %max3A_816 : vector<32x1xf32>
    %div3A_818 = vector.broadcast %max3A_817 : vector<32x1xf32> to vector<32x512xf32>
    %div3A_819 = arith.divf %sub3A_811, %div3A_818 : vector<32x512xf32>
    %gt3A_820 = arith.constant 0.000000e+00 : f32
    %gt3A_821 = vector.broadcast %gt3A_820 : f32 to vector<32x512xf32>
    %gt3A_822 = arith.cmpf ogt, %add3A_809, %gt3A_821 : vector<32x512xf32>
    %convert_element_type3A_823 = arith.extui %gt3A_822 : vector<32x512xi1> to vector<32x512xi32>
    %convert_element_type3A_824 = arith.sitofp %convert_element_type3A_823 : vector<32x512xi32> to vector<32x512xf32>
    %reduce_sum3A_825 = arith.constant dense<0.000000e+00> : vector<32xf32>
    %reduce_sum3A_826 = vector.multi_reduction <add>, %convert_element_type3A_824, %reduce_sum3A_825 [1] : vector<32x512xf32> to vector<32xf32>
    %broadcast_in_dim3A_827 = vector.shape_cast %reduce_sum3A_826 : vector<32xf32> to vector<32x1xf32>
    %sub3A_828 = arith.constant 4.000000e+00 : f32
    %sub3A_829 = vector.broadcast %sub3A_828 : f32 to vector<32x1xf32>
    %sub3A_830 = arith.subf %sub3A_829, %broadcast_in_dim3A_827 : vector<32x1xf32>
    %ne3A_831 = arith.constant 0 : i32
    %ne3A_832 = vector.broadcast %ne3A_831 : i32 to vector<32x1xi32>
    %ne3A_833 = arith.cmpi ne, %add3A_810, %ne3A_832 : vector<32x1xi32>
    %and3A_834 = arith.andi %slice3A_708, %ne3A_833 : vector<32x1xi1>
    %mul3A_835 = vector.broadcast %sub3A_830 : vector<32x1xf32> to vector<32x512xf32>
    %mul3A_836 = arith.mulf %mul3A_835, %div3A_819 : vector<32x512xf32>
    %add3A_837 = arith.addf %add3A_809, %mul3A_836 : vector<32x512xf32>
    %mul3A_838 = arith.constant 4.000000e+00 : f32
    %mul3A_839 = vector.broadcast %mul3A_838 : f32 to vector<32x512xf32>
    %mul3A_840 = arith.mulf %mul3A_839, %div3A_819 : vector<32x512xf32>
    %broadcast_in_dim3A_841 = vector.shape_cast %and3A_834 : vector<32x1xi1> to vector<32x1xi1>
    %broadcast_in_dim3A_842 = vector.broadcast %broadcast_in_dim3A_841 : vector<32x1xi1> to vector<32x512xi1>
    %select_n3A_843 = arith.select %broadcast_in_dim3A_842, %add3A_837, %mul3A_840 : vector<32x512xi1>, vector<32x512xf32>
    %swap3A_844 = arith.constant 0 : index
    %swap3A_845 = arith.constant 1536 : index
    %swap3A_846 = vector.load %arg9[%swap3A_844, %swap3A_845] : memref<32x6144xf32, #tpu.memory_space<vmem>>, vector<32x512xf32>
    tpu.vector_store %arg9[%swap3A_844, %swap3A_845], %select_n3A_843 {strides = array<i32>} : memref<32x6144xf32, #tpu.memory_space<vmem>>, vector<32x512xf32>,
    %slice3A_847 = vector.extract_strided_slice %dot_general3A_289 {offsets = [128, 0], sizes = [32, 768], strides = [1, 1]} : vector<384x768xf32> to vector<32x768xf32>
    %slice3A_848 = vector.extract_strided_slice %gt3A_118 {offsets = [0, 4], sizes = [32, 1], strides = [1, 1]} : vector<32x12xi1> to vector<32x1xi1>
    %jit3A_849 = arith.constant 1.000000e+00 : f32
    %broadcast_in_dim3A_850 = vector.broadcast %jit3A_849 : f32 to vector<32x1xf32>
    %select_n3A_851 = arith.select %slice3A_848, %broadcast_in_dim3A_850, %div3A_129 : vector<32x1xi1>, vector<32x1xf32>
    %mul3A_852 = vector.broadcast %select_n3A_851 : vector<32x1xf32> to vector<32x768xf32>
    %mul3A_853 = arith.mulf %slice3A_847, %mul3A_852 : vector<32x768xf32>
    %slice3A_854 = vector.extract_strided_slice %mul3A_853 {offsets = [0, 0], sizes = [32, 128], strides = [1, 1]} : vector<32x768xf32> to vector<32x128xf32>
    %slice3A_855 = vector.extract_strided_slice %mul3A_853 {offsets = [0, 128], sizes = [32, 128], strides = [1, 1]} : vector<32x768xf32> to vector<32x128xf32>
    %slice3A_856 = vector.extract_strided_slice %mul3A_853 {offsets = [0, 256], sizes = [32, 512], strides = [1, 1]} : vector<32x768xf32> to vector<32x512xf32>
    %slice3A_857 = vector.extract_strided_slice %get3A_4 {offsets = [0, 4], sizes = [32, 1], strides = [1, 1]} : vector<32x12xi32> to vector<32x1xi32>
    %gt3A_858 = arith.constant 0 : i32
    %gt3A_859 = vector.broadcast %gt3A_858 : i32 to vector<32x1xi32>
    %gt3A_860 = arith.cmpi sgt, %slice3A_857, %gt3A_859 : vector<32x1xi32>
    %sub3A_861 = arith.constant 1 : i32
    %sub3A_862 = vector.broadcast %sub3A_861 : i32 to vector<32x1xi32>
    %sub3A_863 = arith.subi %slice3A_857, %sub3A_862 : vector<32x1xi32>
    %eq3A_864 = vector.broadcast %sub3A_863 : vector<32x1xi32> to vector<32x128xi32>
    %eq3A_865 = arith.cmpi eq, %iota3A_11, %eq3A_864 : vector<32x128xi32>
    %convert_element_type3A_866 = arith.extui %eq3A_865 : vector<32x128xi1> to vector<32x128xi32>
    %convert_element_type3A_867 = arith.sitofp %convert_element_type3A_866 : vector<32x128xi32> to vector<32x128xf32>
    %reduce_sum3A_868 = arith.constant dense<0.000000e+00> : vector<32xf32>
    %reduce_sum3A_869 = vector.multi_reduction <add>, %slice3A_854, %reduce_sum3A_868 [1] : vector<32x128xf32> to vector<32xf32>
    %broadcast_in_dim3A_870 = vector.shape_cast %reduce_sum3A_869 : vector<32xf32> to vector<32x1xf32>
    %max3A_871 = arith.constant 1.000000e+00 : f32
    %max3A_872 = vector.broadcast %max3A_871 : f32 to vector<32x1xf32>
    %max3A_873 = arith.maximumf %broadcast_in_dim3A_870, %max3A_872 : vector<32x1xf32>
    %div3A_874 = vector.broadcast %max3A_873 : vector<32x1xf32> to vector<32x128xf32>
    %div3A_875 = arith.divf %slice3A_854, %div3A_874 : vector<32x128xf32>
    %broadcast_in_dim3A_876 = vector.shape_cast %gt3A_860 : vector<32x1xi1> to vector<32x1xi1>
    %broadcast_in_dim3A_877 = vector.broadcast %broadcast_in_dim3A_876 : vector<32x1xi1> to vector<32x128xi1>
    %select_n3A_878 = arith.select %broadcast_in_dim3A_877, %convert_element_type3A_867, %div3A_875 : vector<32x128xi1>, vector<32x128xf32>
    %swap3A_879 = arith.constant 0 : index
    %swap3A_880 = arith.constant 512 : index
    %swap3A_881 = vector.load %arg7[%swap3A_879, %swap3A_880] : memref<32x1536xf32, #tpu.memory_space<vmem>>, vector<32x128xf32>
    tpu.vector_store %arg7[%swap3A_879, %swap3A_880], %select_n3A_878 {strides = array<i32>} : memref<32x1536xf32, #tpu.memory_space<vmem>>, vector<32x128xf32>,
    %slice3A_882 = vector.extract_strided_slice %get3A_7 {offsets = [0, 4], sizes = [32, 1], strides = [1, 1]} : vector<32x12xi32> to vector<32x1xi32>
    %sub3A_883 = arith.constant 1 : i32
    %sub3A_884 = vector.broadcast %sub3A_883 : i32 to vector<32x1xi32>
    %sub3A_885 = arith.subi %slice3A_882, %sub3A_884 : vector<32x1xi32>
    %max3A_886 = arith.constant 0 : i32
    %max3A_887 = vector.broadcast %max3A_886 : i32 to vector<32x1xi32>
    %max3A_888 = arith.maxsi %sub3A_885, %max3A_887 : vector<32x1xi32>
    %eq3A_889 = vector.broadcast %max3A_888 : vector<32x1xi32> to vector<32x128xi32>
    %eq3A_890 = arith.cmpi eq, %iota3A_11, %eq3A_889 : vector<32x128xi32>
    %convert_element_type3A_891 = arith.extui %eq3A_890 : vector<32x128xi1> to vector<32x128xi32>
    %convert_element_type3A_892 = arith.sitofp %convert_element_type3A_891 : vector<32x128xi32> to vector<32x128xf32>
    %reduce_sum3A_893 = arith.constant dense<0.000000e+00> : vector<32xf32>
    %reduce_sum3A_894 = vector.multi_reduction <add>, %slice3A_855, %reduce_sum3A_893 [1] : vector<32x128xf32> to vector<32xf32>
    %broadcast_in_dim3A_895 = vector.shape_cast %reduce_sum3A_894 : vector<32xf32> to vector<32x1xf32>
    %max3A_896 = arith.constant 1.000000e+00 : f32
    %max3A_897 = vector.broadcast %max3A_896 : f32 to vector<32x1xf32>
    %max3A_898 = arith.maximumf %broadcast_in_dim3A_895, %max3A_897 : vector<32x1xf32>
    %div3A_899 = vector.broadcast %max3A_898 : vector<32x1xf32> to vector<32x128xf32>
    %div3A_900 = arith.divf %slice3A_855, %div3A_899 : vector<32x128xf32>
    %broadcast_in_dim3A_901 = vector.shape_cast %gt3A_860 : vector<32x1xi1> to vector<32x1xi1>
    %broadcast_in_dim3A_902 = vector.broadcast %broadcast_in_dim3A_901 : vector<32x1xi1> to vector<32x128xi1>
    %select_n3A_903 = arith.select %broadcast_in_dim3A_902, %convert_element_type3A_892, %div3A_900 : vector<32x128xi1>, vector<32x128xf32>
    %swap3A_904 = arith.constant 0 : index
    %swap3A_905 = arith.constant 512 : index
    %swap3A_906 = vector.load %arg8[%swap3A_904, %swap3A_905] : memref<32x1536xf32, #tpu.memory_space<vmem>>, vector<32x128xf32>
    tpu.vector_store %arg8[%swap3A_904, %swap3A_905], %select_n3A_903 {strides = array<i32>} : memref<32x1536xf32, #tpu.memory_space<vmem>>, vector<32x128xf32>,
    %broadcast_in_dim3A_907 = arith.constant 0.000000e+00 : f32
    %broadcast_in_dim3A_908 = vector.broadcast %broadcast_in_dim3A_907 : f32 to vector<32x512xf32>
    %broadcast_in_dim3A_909 = arith.constant 0 : i32
    %broadcast_in_dim3A_910 = vector.broadcast %broadcast_in_dim3A_909 : i32 to vector<32x1xi32>
    %slice3A_911 = vector.extract_strided_slice %get3A_10 {offsets = [0, 16], sizes = [32, 1], strides = [1, 1]} : vector<32x48xi32> to vector<32x1xi32>
    %sub3A_912 = arith.constant 1 : i32
    %sub3A_913 = vector.broadcast %sub3A_912 : i32 to vector<32x1xi32>
    %sub3A_914 = arith.subi %slice3A_911, %sub3A_913 : vector<32x1xi32>
    %eq3A_915 = vector.broadcast %sub3A_914 : vector<32x1xi32> to vector<32x512xi32>
    %eq3A_916 = arith.cmpi eq, %iota3A_12, %eq3A_915 : vector<32x512xi32>
    %convert_element_type3A_917 = arith.extui %eq3A_916 : vector<32x512xi1> to vector<32x512xi32>
    %convert_element_type3A_918 = arith.sitofp %convert_element_type3A_917 : vector<32x512xi32> to vector<32x512xf32>
    %add3A_919 = arith.addf %broadcast_in_dim3A_908, %convert_element_type3A_918 : vector<32x512xf32>
    %add3A_920 = arith.addi %broadcast_in_dim3A_910, %slice3A_911 : vector<32x1xi32>
    %slice3A_921 = vector.extract_strided_slice %get3A_10 {offsets = [0, 17], sizes = [32, 1], strides = [1, 1]} : vector<32x48xi32> to vector<32x1xi32>
    %sub3A_922 = arith.constant 1 : i32
    %sub3A_923 = vector.broadcast %sub3A_922 : i32 to vector<32x1xi32>
    %sub3A_924 = arith.subi %slice3A_921, %sub3A_923 : vector<32x1xi32>
    %eq3A_925 = vector.broadcast %sub3A_924 : vector<32x1xi32> to vector<32x512xi32>
    %eq3A_926 = arith.cmpi eq, %iota3A_12, %eq3A_925 : vector<32x512xi32>
    %convert_element_type3A_927 = arith.extui %eq3A_926 : vector<32x512xi1> to vector<32x512xi32>
    %convert_element_type3A_928 = arith.sitofp %convert_element_type3A_927 : vector<32x512xi32> to vector<32x512xf32>
    %add3A_929 = arith.addf %add3A_919, %convert_element_type3A_928 : vector<32x512xf32>
    %add3A_930 = arith.addi %add3A_920, %slice3A_921 : vector<32x1xi32>
    %slice3A_931 = vector.extract_strided_slice %get3A_10 {offsets = [0, 18], sizes = [32, 1], strides = [1, 1]} : vector<32x48xi32> to vector<32x1xi32>
    %sub3A_932 = arith.constant 1 : i32
    %sub3A_933 = vector.broadcast %sub3A_932 : i32 to vector<32x1xi32>
    %sub3A_934 = arith.subi %slice3A_931, %sub3A_933 : vector<32x1xi32>
    %eq3A_935 = vector.broadcast %sub3A_934 : vector<32x1xi32> to vector<32x512xi32>
    %eq3A_936 = arith.cmpi eq, %iota3A_12, %eq3A_935 : vector<32x512xi32>
    %convert_element_type3A_937 = arith.extui %eq3A_936 : vector<32x512xi1> to vector<32x512xi32>
    %convert_element_type3A_938 = arith.sitofp %convert_element_type3A_937 : vector<32x512xi32> to vector<32x512xf32>
    %add3A_939 = arith.addf %add3A_929, %convert_element_type3A_938 : vector<32x512xf32>
    %add3A_940 = arith.addi %add3A_930, %slice3A_931 : vector<32x1xi32>
    %slice3A_941 = vector.extract_strided_slice %get3A_10 {offsets = [0, 19], sizes = [32, 1], strides = [1, 1]} : vector<32x48xi32> to vector<32x1xi32>
    %sub3A_942 = arith.constant 1 : i32
    %sub3A_943 = vector.broadcast %sub3A_942 : i32 to vector<32x1xi32>
    %sub3A_944 = arith.subi %slice3A_941, %sub3A_943 : vector<32x1xi32>
    %eq3A_945 = vector.broadcast %sub3A_944 : vector<32x1xi32> to vector<32x512xi32>
    %eq3A_946 = arith.cmpi eq, %iota3A_12, %eq3A_945 : vector<32x512xi32>
    %convert_element_type3A_947 = arith.extui %eq3A_946 : vector<32x512xi1> to vector<32x512xi32>
    %convert_element_type3A_948 = arith.sitofp %convert_element_type3A_947 : vector<32x512xi32> to vector<32x512xf32>
    %add3A_949 = arith.addf %add3A_939, %convert_element_type3A_948 : vector<32x512xf32>
    %add3A_950 = arith.addi %add3A_940, %slice3A_941 : vector<32x1xi32>
    %sub3A_951 = arith.subf %slice3A_856, %add3A_949 : vector<32x512xf32>
    %reduce_sum3A_952 = arith.constant dense<0.000000e+00> : vector<32xf32>
    %reduce_sum3A_953 = vector.multi_reduction <add>, %sub3A_951, %reduce_sum3A_952 [1] : vector<32x512xf32> to vector<32xf32>
    %broadcast_in_dim3A_954 = vector.shape_cast %reduce_sum3A_953 : vector<32xf32> to vector<32x1xf32>
    %max3A_955 = arith.constant 1.000000e+00 : f32
    %max3A_956 = vector.broadcast %max3A_955 : f32 to vector<32x1xf32>
    %max3A_957 = arith.maximumf %broadcast_in_dim3A_954, %max3A_956 : vector<32x1xf32>
    %div3A_958 = vector.broadcast %max3A_957 : vector<32x1xf32> to vector<32x512xf32>
    %div3A_959 = arith.divf %sub3A_951, %div3A_958 : vector<32x512xf32>
    %gt3A_960 = arith.constant 0.000000e+00 : f32
    %gt3A_961 = vector.broadcast %gt3A_960 : f32 to vector<32x512xf32>
    %gt3A_962 = arith.cmpf ogt, %add3A_949, %gt3A_961 : vector<32x512xf32>
    %convert_element_type3A_963 = arith.extui %gt3A_962 : vector<32x512xi1> to vector<32x512xi32>
    %convert_element_type3A_964 = arith.sitofp %convert_element_type3A_963 : vector<32x512xi32> to vector<32x512xf32>
    %reduce_sum3A_965 = arith.constant dense<0.000000e+00> : vector<32xf32>
    %reduce_sum3A_966 = vector.multi_reduction <add>, %convert_element_type3A_964, %reduce_sum3A_965 [1] : vector<32x512xf32> to vector<32xf32>
    %broadcast_in_dim3A_967 = vector.shape_cast %reduce_sum3A_966 : vector<32xf32> to vector<32x1xf32>
    %sub3A_968 = arith.constant 4.000000e+00 : f32
    %sub3A_969 = vector.broadcast %sub3A_968 : f32 to vector<32x1xf32>
    %sub3A_970 = arith.subf %sub3A_969, %broadcast_in_dim3A_967 : vector<32x1xf32>
    %ne3A_971 = arith.constant 0 : i32
    %ne3A_972 = vector.broadcast %ne3A_971 : i32 to vector<32x1xi32>
    %ne3A_973 = arith.cmpi ne, %add3A_950, %ne3A_972 : vector<32x1xi32>
    %and3A_974 = arith.andi %slice3A_848, %ne3A_973 : vector<32x1xi1>
    %mul3A_975 = vector.broadcast %sub3A_970 : vector<32x1xf32> to vector<32x512xf32>
    %mul3A_976 = arith.mulf %mul3A_975, %div3A_959 : vector<32x512xf32>
    %add3A_977 = arith.addf %add3A_949, %mul3A_976 : vector<32x512xf32>
    %mul3A_978 = arith.constant 4.000000e+00 : f32
    %mul3A_979 = vector.broadcast %mul3A_978 : f32 to vector<32x512xf32>
    %mul3A_980 = arith.mulf %mul3A_979, %div3A_959 : vector<32x512xf32>
    %broadcast_in_dim3A_981 = vector.shape_cast %and3A_974 : vector<32x1xi1> to vector<32x1xi1>
    %broadcast_in_dim3A_982 = vector.broadcast %broadcast_in_dim3A_981 : vector<32x1xi1> to vector<32x512xi1>
    %select_n3A_983 = arith.select %broadcast_in_dim3A_982, %add3A_977, %mul3A_980 : vector<32x512xi1>, vector<32x512xf32>
    %swap3A_984 = arith.constant 0 : index
    %swap3A_985 = arith.constant 2048 : index
    %swap3A_986 = vector.load %arg9[%swap3A_984, %swap3A_985] : memref<32x6144xf32, #tpu.memory_space<vmem>>, vector<32x512xf32>
    tpu.vector_store %arg9[%swap3A_984, %swap3A_985], %select_n3A_983 {strides = array<i32>} : memref<32x6144xf32, #tpu.memory_space<vmem>>, vector<32x512xf32>,
    %slice3A_987 = vector.extract_strided_slice %dot_general3A_289 {offsets = [160, 0], sizes = [32, 768], strides = [1, 1]} : vector<384x768xf32> to vector<32x768xf32>
    %slice3A_988 = vector.extract_strided_slice %gt3A_118 {offsets = [0, 5], sizes = [32, 1], strides = [1, 1]} : vector<32x12xi1> to vector<32x1xi1>
    %jit3A_989 = arith.constant 1.000000e+00 : f32
    %broadcast_in_dim3A_990 = vector.broadcast %jit3A_989 : f32 to vector<32x1xf32>
    %select_n3A_991 = arith.select %slice3A_988, %broadcast_in_dim3A_990, %div3A_129 : vector<32x1xi1>, vector<32x1xf32>
    %mul3A_992 = vector.broadcast %select_n3A_991 : vector<32x1xf32> to vector<32x768xf32>
    %mul3A_993 = arith.mulf %slice3A_987, %mul3A_992 : vector<32x768xf32>
    %slice3A_994 = vector.extract_strided_slice %mul3A_993 {offsets = [0, 0], sizes = [32, 128], strides = [1, 1]} : vector<32x768xf32> to vector<32x128xf32>
    %slice3A_995 = vector.extract_strided_slice %mul3A_993 {offsets = [0, 128], sizes = [32, 128], strides = [1, 1]} : vector<32x768xf32> to vector<32x128xf32>
    %slice3A_996 = vector.extract_strided_slice %mul3A_993 {offsets = [0, 256], sizes = [32, 512], strides = [1, 1]} : vector<32x768xf32> to vector<32x512xf32>
    %slice3A_997 = vector.extract_strided_slice %get3A_4 {offsets = [0, 5], sizes = [32, 1], strides = [1, 1]} : vector<32x12xi32> to vector<32x1xi32>
    %gt3A_998 = arith.constant 0 : i32
    %gt3A_999 = vector.broadcast %gt3A_998 : i32 to vector<32x1xi32>
    %gt3A_1000 = arith.cmpi sgt, %slice3A_997, %gt3A_999 : vector<32x1xi32>
    %sub3A_1001 = arith.constant 1 : i32
    %sub3A_1002 = vector.broadcast %sub3A_1001 : i32 to vector<32x1xi32>
    %sub3A_1003 = arith.subi %slice3A_997, %sub3A_1002 : vector<32x1xi32>
    %eq3A_1004 = vector.broadcast %sub3A_1003 : vector<32x1xi32> to vector<32x128xi32>
    %eq3A_1005 = arith.cmpi eq, %iota3A_11, %eq3A_1004 : vector<32x128xi32>
    %convert_element_type3A_1006 = arith.extui %eq3A_1005 : vector<32x128xi1> to vector<32x128xi32>
    %convert_element_type3A_1007 = arith.sitofp %convert_element_type3A_1006 : vector<32x128xi32> to vector<32x128xf32>
    %reduce_sum3A_1008 = arith.constant dense<0.000000e+00> : vector<32xf32>
    %reduce_sum3A_1009 = vector.multi_reduction <add>, %slice3A_994, %reduce_sum3A_1008 [1] : vector<32x128xf32> to vector<32xf32>
    %broadcast_in_dim3A_1010 = vector.shape_cast %reduce_sum3A_1009 : vector<32xf32> to vector<32x1xf32>
    %max3A_1011 = arith.constant 1.000000e+00 : f32
    %max3A_1012 = vector.broadcast %max3A_1011 : f32 to vector<32x1xf32>
    %max3A_1013 = arith.maximumf %broadcast_in_dim3A_1010, %max3A_1012 : vector<32x1xf32>
    %div3A_1014 = vector.broadcast %max3A_1013 : vector<32x1xf32> to vector<32x128xf32>
    %div3A_1015 = arith.divf %slice3A_994, %div3A_1014 : vector<32x128xf32>
    %broadcast_in_dim3A_1016 = vector.shape_cast %gt3A_1000 : vector<32x1xi1> to vector<32x1xi1>
    %broadcast_in_dim3A_1017 = vector.broadcast %broadcast_in_dim3A_1016 : vector<32x1xi1> to vector<32x128xi1>
    %select_n3A_1018 = arith.select %broadcast_in_dim3A_1017, %convert_element_type3A_1007, %div3A_1015 : vector<32x128xi1>, vector<32x128xf32>
    %swap3A_1019 = arith.constant 0 : index
    %swap3A_1020 = arith.constant 640 : index
    %swap3A_1021 = vector.load %arg7[%swap3A_1019, %swap3A_1020] : memref<32x1536xf32, #tpu.memory_space<vmem>>, vector<32x128xf32>
    tpu.vector_store %arg7[%swap3A_1019, %swap3A_1020], %select_n3A_1018 {strides = array<i32>} : memref<32x1536xf32, #tpu.memory_space<vmem>>, vector<32x128xf32>,
    %slice3A_1022 = vector.extract_strided_slice %get3A_7 {offsets = [0, 5], sizes = [32, 1], strides = [1, 1]} : vector<32x12xi32> to vector<32x1xi32>
    %sub3A_1023 = arith.constant 1 : i32
    %sub3A_1024 = vector.broadcast %sub3A_1023 : i32 to vector<32x1xi32>
    %sub3A_1025 = arith.subi %slice3A_1022, %sub3A_1024 : vector<32x1xi32>
    %max3A_1026 = arith.constant 0 : i32
    %max3A_1027 = vector.broadcast %max3A_1026 : i32 to vector<32x1xi32>
    %max3A_1028 = arith.maxsi %sub3A_1025, %max3A_1027 : vector<32x1xi32>
    %eq3A_1029 = vector.broadcast %max3A_1028 : vector<32x1xi32> to vector<32x128xi32>
    %eq3A_1030 = arith.cmpi eq, %iota3A_11, %eq3A_1029 : vector<32x128xi32>
    %convert_element_type3A_1031 = arith.extui %eq3A_1030 : vector<32x128xi1> to vector<32x128xi32>
    %convert_element_type3A_1032 = arith.sitofp %convert_element_type3A_1031 : vector<32x128xi32> to vector<32x128xf32>
    %reduce_sum3A_1033 = arith.constant dense<0.000000e+00> : vector<32xf32>
    %reduce_sum3A_1034 = vector.multi_reduction <add>, %slice3A_995, %reduce_sum3A_1033 [1] : vector<32x128xf32> to vector<32xf32>
    %broadcast_in_dim3A_1035 = vector.shape_cast %reduce_sum3A_1034 : vector<32xf32> to vector<32x1xf32>
    %max3A_1036 = arith.constant 1.000000e+00 : f32
    %max3A_1037 = vector.broadcast %max3A_1036 : f32 to vector<32x1xf32>
    %max3A_1038 = arith.maximumf %broadcast_in_dim3A_1035, %max3A_1037 : vector<32x1xf32>
    %div3A_1039 = vector.broadcast %max3A_1038 : vector<32x1xf32> to vector<32x128xf32>
    %div3A_1040 = arith.divf %slice3A_995, %div3A_1039 : vector<32x128xf32>
    %broadcast_in_dim3A_1041 = vector.shape_cast %gt3A_1000 : vector<32x1xi1> to vector<32x1xi1>
    %broadcast_in_dim3A_1042 = vector.broadcast %broadcast_in_dim3A_1041 : vector<32x1xi1> to vector<32x128xi1>
    %select_n3A_1043 = arith.select %broadcast_in_dim3A_1042, %convert_element_type3A_1032, %div3A_1040 : vector<32x128xi1>, vector<32x128xf32>
    %swap3A_1044 = arith.constant 0 : index
    %swap3A_1045 = arith.constant 640 : index
    %swap3A_1046 = vector.load %arg8[%swap3A_1044, %swap3A_1045] : memref<32x1536xf32, #tpu.memory_space<vmem>>, vector<32x128xf32>
    tpu.vector_store %arg8[%swap3A_1044, %swap3A_1045], %select_n3A_1043 {strides = array<i32>} : memref<32x1536xf32, #tpu.memory_space<vmem>>, vector<32x128xf32>,
    %broadcast_in_dim3A_1047 = arith.constant 0.000000e+00 : f32
    %broadcast_in_dim3A_1048 = vector.broadcast %broadcast_in_dim3A_1047 : f32 to vector<32x512xf32>
    %broadcast_in_dim3A_1049 = arith.constant 0 : i32
    %broadcast_in_dim3A_1050 = vector.broadcast %broadcast_in_dim3A_1049 : i32 to vector<32x1xi32>
    %slice3A_1051 = vector.extract_strided_slice %get3A_10 {offsets = [0, 20], sizes = [32, 1], strides = [1, 1]} : vector<32x48xi32> to vector<32x1xi32>
    %sub3A_1052 = arith.constant 1 : i32
    %sub3A_1053 = vector.broadcast %sub3A_1052 : i32 to vector<32x1xi32>
    %sub3A_1054 = arith.subi %slice3A_1051, %sub3A_1053 : vector<32x1xi32>
    %eq3A_1055 = vector.broadcast %sub3A_1054 : vector<32x1xi32> to vector<32x512xi32>
    %eq3A_1056 = arith.cmpi eq, %iota3A_12, %eq3A_1055 : vector<32x512xi32>
    %convert_element_type3A_1057 = arith.extui %eq3A_1056 : vector<32x512xi1> to vector<32x512xi32>
    %convert_element_type3A_1058 = arith.sitofp %convert_element_type3A_1057 : vector<32x512xi32> to vector<32x512xf32>
    %add3A_1059 = arith.addf %broadcast_in_dim3A_1048, %convert_element_type3A_1058 : vector<32x512xf32>
    %add3A_1060 = arith.addi %broadcast_in_dim3A_1050, %slice3A_1051 : vector<32x1xi32>
    %slice3A_1061 = vector.extract_strided_slice %get3A_10 {offsets = [0, 21], sizes = [32, 1], strides = [1, 1]} : vector<32x48xi32> to vector<32x1xi32>
    %sub3A_1062 = arith.constant 1 : i32
    %sub3A_1063 = vector.broadcast %sub3A_1062 : i32 to vector<32x1xi32>
    %sub3A_1064 = arith.subi %slice3A_1061, %sub3A_1063 : vector<32x1xi32>
    %eq3A_1065 = vector.broadcast %sub3A_1064 : vector<32x1xi32> to vector<32x512xi32>
    %eq3A_1066 = arith.cmpi eq, %iota3A_12, %eq3A_1065 : vector<32x512xi32>
    %convert_element_type3A_1067 = arith.extui %eq3A_1066 : vector<32x512xi1> to vector<32x512xi32>
    %convert_element_type3A_1068 = arith.sitofp %convert_element_type3A_1067 : vector<32x512xi32> to vector<32x512xf32>
    %add3A_1069 = arith.addf %add3A_1059, %convert_element_type3A_1068 : vector<32x512xf32>
    %add3A_1070 = arith.addi %add3A_1060, %slice3A_1061 : vector<32x1xi32>
    %slice3A_1071 = vector.extract_strided_slice %get3A_10 {offsets = [0, 22], sizes = [32, 1], strides = [1, 1]} : vector<32x48xi32> to vector<32x1xi32>
    %sub3A_1072 = arith.constant 1 : i32
    %sub3A_1073 = vector.broadcast %sub3A_1072 : i32 to vector<32x1xi32>
    %sub3A_1074 = arith.subi %slice3A_1071, %sub3A_1073 : vector<32x1xi32>
    %eq3A_1075 = vector.broadcast %sub3A_1074 : vector<32x1xi32> to vector<32x512xi32>
    %eq3A_1076 = arith.cmpi eq, %iota3A_12, %eq3A_1075 : vector<32x512xi32>
    %convert_element_type3A_1077 = arith.extui %eq3A_1076 : vector<32x512xi1> to vector<32x512xi32>
    %convert_element_type3A_1078 = arith.sitofp %convert_element_type3A_1077 : vector<32x512xi32> to vector<32x512xf32>
    %add3A_1079 = arith.addf %add3A_1069, %convert_element_type3A_1078 : vector<32x512xf32>
    %add3A_1080 = arith.addi %add3A_1070, %slice3A_1071 : vector<32x1xi32>
    %slice3A_1081 = vector.extract_strided_slice %get3A_10 {offsets = [0, 23], sizes = [32, 1], strides = [1, 1]} : vector<32x48xi32> to vector<32x1xi32>
    %sub3A_1082 = arith.constant 1 : i32
    %sub3A_1083 = vector.broadcast %sub3A_1082 : i32 to vector<32x1xi32>
    %sub3A_1084 = arith.subi %slice3A_1081, %sub3A_1083 : vector<32x1xi32>
    %eq3A_1085 = vector.broadcast %sub3A_1084 : vector<32x1xi32> to vector<32x512xi32>
    %eq3A_1086 = arith.cmpi eq, %iota3A_12, %eq3A_1085 : vector<32x512xi32>
    %convert_element_type3A_1087 = arith.extui %eq3A_1086 : vector<32x512xi1> to vector<32x512xi32>
    %convert_element_type3A_1088 = arith.sitofp %convert_element_type3A_1087 : vector<32x512xi32> to vector<32x512xf32>
    %add3A_1089 = arith.addf %add3A_1079, %convert_element_type3A_1088 : vector<32x512xf32>
    %add3A_1090 = arith.addi %add3A_1080, %slice3A_1081 : vector<32x1xi32>
    %sub3A_1091 = arith.subf %slice3A_996, %add3A_1089 : vector<32x512xf32>
    %reduce_sum3A_1092 = arith.constant dense<0.000000e+00> : vector<32xf32>
    %reduce_sum3A_1093 = vector.multi_reduction <add>, %sub3A_1091, %reduce_sum3A_1092 [1] : vector<32x512xf32> to vector<32xf32>
    %broadcast_in_dim3A_1094 = vector.shape_cast %reduce_sum3A_1093 : vector<32xf32> to vector<32x1xf32>
    %max3A_1095 = arith.constant 1.000000e+00 : f32
    %max3A_1096 = vector.broadcast %max3A_1095 : f32 to vector<32x1xf32>
    %max3A_1097 = arith.maximumf %broadcast_in_dim3A_1094, %max3A_1096 : vector<32x1xf32>
    %div3A_1098 = vector.broadcast %max3A_1097 : vector<32x1xf32> to vector<32x512xf32>
    %div3A_1099 = arith.divf %sub3A_1091, %div3A_1098 : vector<32x512xf32>
    %gt3A_1100 = arith.constant 0.000000e+00 : f32
    %gt3A_1101 = vector.broadcast %gt3A_1100 : f32 to vector<32x512xf32>
    %gt3A_1102 = arith.cmpf ogt, %add3A_1089, %gt3A_1101 : vector<32x512xf32>
    %convert_element_type3A_1103 = arith.extui %gt3A_1102 : vector<32x512xi1> to vector<32x512xi32>
    %convert_element_type3A_1104 = arith.sitofp %convert_element_type3A_1103 : vector<32x512xi32> to vector<32x512xf32>
    %reduce_sum3A_1105 = arith.constant dense<0.000000e+00> : vector<32xf32>
    %reduce_sum3A_1106 = vector.multi_reduction <add>, %convert_element_type3A_1104, %reduce_sum3A_1105 [1] : vector<32x512xf32> to vector<32xf32>
    %broadcast_in_dim3A_1107 = vector.shape_cast %reduce_sum3A_1106 : vector<32xf32> to vector<32x1xf32>
    %sub3A_1108 = arith.constant 4.000000e+00 : f32
    %sub3A_1109 = vector.broadcast %sub3A_1108 : f32 to vector<32x1xf32>
    %sub3A_1110 = arith.subf %sub3A_1109, %broadcast_in_dim3A_1107 : vector<32x1xf32>
    %ne3A_1111 = arith.constant 0 : i32
    %ne3A_1112 = vector.broadcast %ne3A_1111 : i32 to vector<32x1xi32>
    %ne3A_1113 = arith.cmpi ne, %add3A_1090, %ne3A_1112 : vector<32x1xi32>
    %and3A_1114 = arith.andi %slice3A_988, %ne3A_1113 : vector<32x1xi1>
    %mul3A_1115 = vector.broadcast %sub3A_1110 : vector<32x1xf32> to vector<32x512xf32>
    %mul3A_1116 = arith.mulf %mul3A_1115, %div3A_1099 : vector<32x512xf32>
    %add3A_1117 = arith.addf %add3A_1089, %mul3A_1116 : vector<32x512xf32>
    %mul3A_1118 = arith.constant 4.000000e+00 : f32
    %mul3A_1119 = vector.broadcast %mul3A_1118 : f32 to vector<32x512xf32>
    %mul3A_1120 = arith.mulf %mul3A_1119, %div3A_1099 : vector<32x512xf32>
    %broadcast_in_dim3A_1121 = vector.shape_cast %and3A_1114 : vector<32x1xi1> to vector<32x1xi1>
    %broadcast_in_dim3A_1122 = vector.broadcast %broadcast_in_dim3A_1121 : vector<32x1xi1> to vector<32x512xi1>
    %select_n3A_1123 = arith.select %broadcast_in_dim3A_1122, %add3A_1117, %mul3A_1120 : vector<32x512xi1>, vector<32x512xf32>
    %swap3A_1124 = arith.constant 0 : index
    %swap3A_1125 = arith.constant 2560 : index
    %swap3A_1126 = vector.load %arg9[%swap3A_1124, %swap3A_1125] : memref<32x6144xf32, #tpu.memory_space<vmem>>, vector<32x512xf32>
    tpu.vector_store %arg9[%swap3A_1124, %swap3A_1125], %select_n3A_1123 {strides = array<i32>} : memref<32x6144xf32, #tpu.memory_space<vmem>>, vector<32x512xf32>,
    %slice3A_1127 = vector.extract_strided_slice %dot_general3A_289 {offsets = [192, 0], sizes = [32, 768], strides = [1, 1]} : vector<384x768xf32> to vector<32x768xf32>
    %slice3A_1128 = vector.extract_strided_slice %gt3A_118 {offsets = [0, 6], sizes = [32, 1], strides = [1, 1]} : vector<32x12xi1> to vector<32x1xi1>
    %jit3A_1129 = arith.constant 1.000000e+00 : f32
    %broadcast_in_dim3A_1130 = vector.broadcast %jit3A_1129 : f32 to vector<32x1xf32>
    %select_n3A_1131 = arith.select %slice3A_1128, %broadcast_in_dim3A_1130, %div3A_129 : vector<32x1xi1>, vector<32x1xf32>
    %mul3A_1132 = vector.broadcast %select_n3A_1131 : vector<32x1xf32> to vector<32x768xf32>
    %mul3A_1133 = arith.mulf %slice3A_1127, %mul3A_1132 : vector<32x768xf32>
    %slice3A_1134 = vector.extract_strided_slice %mul3A_1133 {offsets = [0, 0], sizes = [32, 128], strides = [1, 1]} : vector<32x768xf32> to vector<32x128xf32>
    %slice3A_1135 = vector.extract_strided_slice %mul3A_1133 {offsets = [0, 128], sizes = [32, 128], strides = [1, 1]} : vector<32x768xf32> to vector<32x128xf32>
    %slice3A_1136 = vector.extract_strided_slice %mul3A_1133 {offsets = [0, 256], sizes = [32, 512], strides = [1, 1]} : vector<32x768xf32> to vector<32x512xf32>
    %slice3A_1137 = vector.extract_strided_slice %get3A_4 {offsets = [0, 6], sizes = [32, 1], strides = [1, 1]} : vector<32x12xi32> to vector<32x1xi32>
    %gt3A_1138 = arith.constant 0 : i32
    %gt3A_1139 = vector.broadcast %gt3A_1138 : i32 to vector<32x1xi32>
    %gt3A_1140 = arith.cmpi sgt, %slice3A_1137, %gt3A_1139 : vector<32x1xi32>
    %sub3A_1141 = arith.constant 1 : i32
    %sub3A_1142 = vector.broadcast %sub3A_1141 : i32 to vector<32x1xi32>
    %sub3A_1143 = arith.subi %slice3A_1137, %sub3A_1142 : vector<32x1xi32>
    %eq3A_1144 = vector.broadcast %sub3A_1143 : vector<32x1xi32> to vector<32x128xi32>
    %eq3A_1145 = arith.cmpi eq, %iota3A_11, %eq3A_1144 : vector<32x128xi32>
    %convert_element_type3A_1146 = arith.extui %eq3A_1145 : vector<32x128xi1> to vector<32x128xi32>
    %convert_element_type3A_1147 = arith.sitofp %convert_element_type3A_1146 : vector<32x128xi32> to vector<32x128xf32>
    %reduce_sum3A_1148 = arith.constant dense<0.000000e+00> : vector<32xf32>
    %reduce_sum3A_1149 = vector.multi_reduction <add>, %slice3A_1134, %reduce_sum3A_1148 [1] : vector<32x128xf32> to vector<32xf32>
    %broadcast_in_dim3A_1150 = vector.shape_cast %reduce_sum3A_1149 : vector<32xf32> to vector<32x1xf32>
    %max3A_1151 = arith.constant 1.000000e+00 : f32
    %max3A_1152 = vector.broadcast %max3A_1151 : f32 to vector<32x1xf32>
    %max3A_1153 = arith.maximumf %broadcast_in_dim3A_1150, %max3A_1152 : vector<32x1xf32>
    %div3A_1154 = vector.broadcast %max3A_1153 : vector<32x1xf32> to vector<32x128xf32>
    %div3A_1155 = arith.divf %slice3A_1134, %div3A_1154 : vector<32x128xf32>
    %broadcast_in_dim3A_1156 = vector.shape_cast %gt3A_1140 : vector<32x1xi1> to vector<32x1xi1>
    %broadcast_in_dim3A_1157 = vector.broadcast %broadcast_in_dim3A_1156 : vector<32x1xi1> to vector<32x128xi1>
    %select_n3A_1158 = arith.select %broadcast_in_dim3A_1157, %convert_element_type3A_1147, %div3A_1155 : vector<32x128xi1>, vector<32x128xf32>
    %swap3A_1159 = arith.constant 0 : index
    %swap3A_1160 = arith.constant 768 : index
    %swap3A_1161 = vector.load %arg7[%swap3A_1159, %swap3A_1160] : memref<32x1536xf32, #tpu.memory_space<vmem>>, vector<32x128xf32>
    tpu.vector_store %arg7[%swap3A_1159, %swap3A_1160], %select_n3A_1158 {strides = array<i32>} : memref<32x1536xf32, #tpu.memory_space<vmem>>, vector<32x128xf32>,
    %slice3A_1162 = vector.extract_strided_slice %get3A_7 {offsets = [0, 6], sizes = [32, 1], strides = [1, 1]} : vector<32x12xi32> to vector<32x1xi32>
    %sub3A_1163 = arith.constant 1 : i32
    %sub3A_1164 = vector.broadcast %sub3A_1163 : i32 to vector<32x1xi32>
    %sub3A_1165 = arith.subi %slice3A_1162, %sub3A_1164 : vector<32x1xi32>
    %max3A_1166 = arith.constant 0 : i32
    %max3A_1167 = vector.broadcast %max3A_1166 : i32 to vector<32x1xi32>
    %max3A_1168 = arith.maxsi %sub3A_1165, %max3A_1167 : vector<32x1xi32>
    %eq3A_1169 = vector.broadcast %max3A_1168 : vector<32x1xi32> to vector<32x128xi32>
    %eq3A_1170 = arith.cmpi eq, %iota3A_11, %eq3A_1169 : vector<32x128xi32>
    %convert_element_type3A_1171 = arith.extui %eq3A_1170 : vector<32x128xi1> to vector<32x128xi32>
    %convert_element_type3A_1172 = arith.sitofp %convert_element_type3A_1171 : vector<32x128xi32> to vector<32x128xf32>
    %reduce_sum3A_1173 = arith.constant dense<0.000000e+00> : vector<32xf32>
    %reduce_sum3A_1174 = vector.multi_reduction <add>, %slice3A_1135, %reduce_sum3A_1173 [1] : vector<32x128xf32> to vector<32xf32>
    %broadcast_in_dim3A_1175 = vector.shape_cast %reduce_sum3A_1174 : vector<32xf32> to vector<32x1xf32>
    %max3A_1176 = arith.constant 1.000000e+00 : f32
    %max3A_1177 = vector.broadcast %max3A_1176 : f32 to vector<32x1xf32>
    %max3A_1178 = arith.maximumf %broadcast_in_dim3A_1175, %max3A_1177 : vector<32x1xf32>
    %div3A_1179 = vector.broadcast %max3A_1178 : vector<32x1xf32> to vector<32x128xf32>
    %div3A_1180 = arith.divf %slice3A_1135, %div3A_1179 : vector<32x128xf32>
    %broadcast_in_dim3A_1181 = vector.shape_cast %gt3A_1140 : vector<32x1xi1> to vector<32x1xi1>
    %broadcast_in_dim3A_1182 = vector.broadcast %broadcast_in_dim3A_1181 : vector<32x1xi1> to vector<32x128xi1>
    %select_n3A_1183 = arith.select %broadcast_in_dim3A_1182, %convert_element_type3A_1172, %div3A_1180 : vector<32x128xi1>, vector<32x128xf32>
    %swap3A_1184 = arith.constant 0 : index
    %swap3A_1185 = arith.constant 768 : index
    %swap3A_1186 = vector.load %arg8[%swap3A_1184, %swap3A_1185] : memref<32x1536xf32, #tpu.memory_space<vmem>>, vector<32x128xf32>
    tpu.vector_store %arg8[%swap3A_1184, %swap3A_1185], %select_n3A_1183 {strides = array<i32>} : memref<32x1536xf32, #tpu.memory_space<vmem>>, vector<32x128xf32>,
    %broadcast_in_dim3A_1187 = arith.constant 0.000000e+00 : f32
    %broadcast_in_dim3A_1188 = vector.broadcast %broadcast_in_dim3A_1187 : f32 to vector<32x512xf32>
    %broadcast_in_dim3A_1189 = arith.constant 0 : i32
    %broadcast_in_dim3A_1190 = vector.broadcast %broadcast_in_dim3A_1189 : i32 to vector<32x1xi32>
    %slice3A_1191 = vector.extract_strided_slice %get3A_10 {offsets = [0, 24], sizes = [32, 1], strides = [1, 1]} : vector<32x48xi32> to vector<32x1xi32>
    %sub3A_1192 = arith.constant 1 : i32
    %sub3A_1193 = vector.broadcast %sub3A_1192 : i32 to vector<32x1xi32>
    %sub3A_1194 = arith.subi %slice3A_1191, %sub3A_1193 : vector<32x1xi32>
    %eq3A_1195 = vector.broadcast %sub3A_1194 : vector<32x1xi32> to vector<32x512xi32>
    %eq3A_1196 = arith.cmpi eq, %iota3A_12, %eq3A_1195 : vector<32x512xi32>
    %convert_element_type3A_1197 = arith.extui %eq3A_1196 : vector<32x512xi1> to vector<32x512xi32>
    %convert_element_type3A_1198 = arith.sitofp %convert_element_type3A_1197 : vector<32x512xi32> to vector<32x512xf32>
    %add3A_1199 = arith.addf %broadcast_in_dim3A_1188, %convert_element_type3A_1198 : vector<32x512xf32>
    %add3A_1200 = arith.addi %broadcast_in_dim3A_1190, %slice3A_1191 : vector<32x1xi32>
    %slice3A_1201 = vector.extract_strided_slice %get3A_10 {offsets = [0, 25], sizes = [32, 1], strides = [1, 1]} : vector<32x48xi32> to vector<32x1xi32>
    %sub3A_1202 = arith.constant 1 : i32
    %sub3A_1203 = vector.broadcast %sub3A_1202 : i32 to vector<32x1xi32>
    %sub3A_1204 = arith.subi %slice3A_1201, %sub3A_1203 : vector<32x1xi32>
    %eq3A_1205 = vector.broadcast %sub3A_1204 : vector<32x1xi32> to vector<32x512xi32>
    %eq3A_1206 = arith.cmpi eq, %iota3A_12, %eq3A_1205 : vector<32x512xi32>
    %convert_element_type3A_1207 = arith.extui %eq3A_1206 : vector<32x512xi1> to vector<32x512xi32>
    %convert_element_type3A_1208 = arith.sitofp %convert_element_type3A_1207 : vector<32x512xi32> to vector<32x512xf32>
    %add3A_1209 = arith.addf %add3A_1199, %convert_element_type3A_1208 : vector<32x512xf32>
    %add3A_1210 = arith.addi %add3A_1200, %slice3A_1201 : vector<32x1xi32>
    %slice3A_1211 = vector.extract_strided_slice %get3A_10 {offsets = [0, 26], sizes = [32, 1], strides = [1, 1]} : vector<32x48xi32> to vector<32x1xi32>
    %sub3A_1212 = arith.constant 1 : i32
    %sub3A_1213 = vector.broadcast %sub3A_1212 : i32 to vector<32x1xi32>
    %sub3A_1214 = arith.subi %slice3A_1211, %sub3A_1213 : vector<32x1xi32>
    %eq3A_1215 = vector.broadcast %sub3A_1214 : vector<32x1xi32> to vector<32x512xi32>
    %eq3A_1216 = arith.cmpi eq, %iota3A_12, %eq3A_1215 : vector<32x512xi32>
    %convert_element_type3A_1217 = arith.extui %eq3A_1216 : vector<32x512xi1> to vector<32x512xi32>
    %convert_element_type3A_1218 = arith.sitofp %convert_element_type3A_1217 : vector<32x512xi32> to vector<32x512xf32>
    %add3A_1219 = arith.addf %add3A_1209, %convert_element_type3A_1218 : vector<32x512xf32>
    %add3A_1220 = arith.addi %add3A_1210, %slice3A_1211 : vector<32x1xi32>
    %slice3A_1221 = vector.extract_strided_slice %get3A_10 {offsets = [0, 27], sizes = [32, 1], strides = [1, 1]} : vector<32x48xi32> to vector<32x1xi32>
    %sub3A_1222 = arith.constant 1 : i32
    %sub3A_1223 = vector.broadcast %sub3A_1222 : i32 to vector<32x1xi32>
    %sub3A_1224 = arith.subi %slice3A_1221, %sub3A_1223 : vector<32x1xi32>
    %eq3A_1225 = vector.broadcast %sub3A_1224 : vector<32x1xi32> to vector<32x512xi32>
    %eq3A_1226 = arith.cmpi eq, %iota3A_12, %eq3A_1225 : vector<32x512xi32>
    %convert_element_type3A_1227 = arith.extui %eq3A_1226 : vector<32x512xi1> to vector<32x512xi32>
    %convert_element_type3A_1228 = arith.sitofp %convert_element_type3A_1227 : vector<32x512xi32> to vector<32x512xf32>
    %add3A_1229 = arith.addf %add3A_1219, %convert_element_type3A_1228 : vector<32x512xf32>
    %add3A_1230 = arith.addi %add3A_1220, %slice3A_1221 : vector<32x1xi32>
    %sub3A_1231 = arith.subf %slice3A_1136, %add3A_1229 : vector<32x512xf32>
    %reduce_sum3A_1232 = arith.constant dense<0.000000e+00> : vector<32xf32>
    %reduce_sum3A_1233 = vector.multi_reduction <add>, %sub3A_1231, %reduce_sum3A_1232 [1] : vector<32x512xf32> to vector<32xf32>
    %broadcast_in_dim3A_1234 = vector.shape_cast %reduce_sum3A_1233 : vector<32xf32> to vector<32x1xf32>
    %max3A_1235 = arith.constant 1.000000e+00 : f32
    %max3A_1236 = vector.broadcast %max3A_1235 : f32 to vector<32x1xf32>
    %max3A_1237 = arith.maximumf %broadcast_in_dim3A_1234, %max3A_1236 : vector<32x1xf32>
    %div3A_1238 = vector.broadcast %max3A_1237 : vector<32x1xf32> to vector<32x512xf32>
    %div3A_1239 = arith.divf %sub3A_1231, %div3A_1238 : vector<32x512xf32>
    %gt3A_1240 = arith.constant 0.000000e+00 : f32
    %gt3A_1241 = vector.broadcast %gt3A_1240 : f32 to vector<32x512xf32>
    %gt3A_1242 = arith.cmpf ogt, %add3A_1229, %gt3A_1241 : vector<32x512xf32>
    %convert_element_type3A_1243 = arith.extui %gt3A_1242 : vector<32x512xi1> to vector<32x512xi32>
    %convert_element_type3A_1244 = arith.sitofp %convert_element_type3A_1243 : vector<32x512xi32> to vector<32x512xf32>
    %reduce_sum3A_1245 = arith.constant dense<0.000000e+00> : vector<32xf32>
    %reduce_sum3A_1246 = vector.multi_reduction <add>, %convert_element_type3A_1244, %reduce_sum3A_1245 [1] : vector<32x512xf32> to vector<32xf32>
    %broadcast_in_dim3A_1247 = vector.shape_cast %reduce_sum3A_1246 : vector<32xf32> to vector<32x1xf32>
    %sub3A_1248 = arith.constant 4.000000e+00 : f32
    %sub3A_1249 = vector.broadcast %sub3A_1248 : f32 to vector<32x1xf32>
    %sub3A_1250 = arith.subf %sub3A_1249, %broadcast_in_dim3A_1247 : vector<32x1xf32>
    %ne3A_1251 = arith.constant 0 : i32
    %ne3A_1252 = vector.broadcast %ne3A_1251 : i32 to vector<32x1xi32>
    %ne3A_1253 = arith.cmpi ne, %add3A_1230, %ne3A_1252 : vector<32x1xi32>
    %and3A_1254 = arith.andi %slice3A_1128, %ne3A_1253 : vector<32x1xi1>
    %mul3A_1255 = vector.broadcast %sub3A_1250 : vector<32x1xf32> to vector<32x512xf32>
    %mul3A_1256 = arith.mulf %mul3A_1255, %div3A_1239 : vector<32x512xf32>
    %add3A_1257 = arith.addf %add3A_1229, %mul3A_1256 : vector<32x512xf32>
    %mul3A_1258 = arith.constant 4.000000e+00 : f32
    %mul3A_1259 = vector.broadcast %mul3A_1258 : f32 to vector<32x512xf32>
    %mul3A_1260 = arith.mulf %mul3A_1259, %div3A_1239 : vector<32x512xf32>
    %broadcast_in_dim3A_1261 = vector.shape_cast %and3A_1254 : vector<32x1xi1> to vector<32x1xi1>
    %broadcast_in_dim3A_1262 = vector.broadcast %broadcast_in_dim3A_1261 : vector<32x1xi1> to vector<32x512xi1>
    %select_n3A_1263 = arith.select %broadcast_in_dim3A_1262, %add3A_1257, %mul3A_1260 : vector<32x512xi1>, vector<32x512xf32>
    %swap3A_1264 = arith.constant 0 : index
    %swap3A_1265 = arith.constant 3072 : index
    %swap3A_1266 = vector.load %arg9[%swap3A_1264, %swap3A_1265] : memref<32x6144xf32, #tpu.memory_space<vmem>>, vector<32x512xf32>
    tpu.vector_store %arg9[%swap3A_1264, %swap3A_1265], %select_n3A_1263 {strides = array<i32>} : memref<32x6144xf32, #tpu.memory_space<vmem>>, vector<32x512xf32>,
    %slice3A_1267 = vector.extract_strided_slice %dot_general3A_289 {offsets = [224, 0], sizes = [32, 768], strides = [1, 1]} : vector<384x768xf32> to vector<32x768xf32>
    %slice3A_1268 = vector.extract_strided_slice %gt3A_118 {offsets = [0, 7], sizes = [32, 1], strides = [1, 1]} : vector<32x12xi1> to vector<32x1xi1>
    %jit3A_1269 = arith.constant 1.000000e+00 : f32
    %broadcast_in_dim3A_1270 = vector.broadcast %jit3A_1269 : f32 to vector<32x1xf32>
    %select_n3A_1271 = arith.select %slice3A_1268, %broadcast_in_dim3A_1270, %div3A_129 : vector<32x1xi1>, vector<32x1xf32>
    %mul3A_1272 = vector.broadcast %select_n3A_1271 : vector<32x1xf32> to vector<32x768xf32>
    %mul3A_1273 = arith.mulf %slice3A_1267, %mul3A_1272 : vector<32x768xf32>
    %slice3A_1274 = vector.extract_strided_slice %mul3A_1273 {offsets = [0, 0], sizes = [32, 128], strides = [1, 1]} : vector<32x768xf32> to vector<32x128xf32>
    %slice3A_1275 = vector.extract_strided_slice %mul3A_1273 {offsets = [0, 128], sizes = [32, 128], strides = [1, 1]} : vector<32x768xf32> to vector<32x128xf32>
    %slice3A_1276 = vector.extract_strided_slice %mul3A_1273 {offsets = [0, 256], sizes = [32, 512], strides = [1, 1]} : vector<32x768xf32> to vector<32x512xf32>
    %slice3A_1277 = vector.extract_strided_slice %get3A_4 {offsets = [0, 7], sizes = [32, 1], strides = [1, 1]} : vector<32x12xi32> to vector<32x1xi32>
    %gt3A_1278 = arith.constant 0 : i32
    %gt3A_1279 = vector.broadcast %gt3A_1278 : i32 to vector<32x1xi32>
    %gt3A_1280 = arith.cmpi sgt, %slice3A_1277, %gt3A_1279 : vector<32x1xi32>
    %sub3A_1281 = arith.constant 1 : i32
    %sub3A_1282 = vector.broadcast %sub3A_1281 : i32 to vector<32x1xi32>
    %sub3A_1283 = arith.subi %slice3A_1277, %sub3A_1282 : vector<32x1xi32>
    %eq3A_1284 = vector.broadcast %sub3A_1283 : vector<32x1xi32> to vector<32x128xi32>
    %eq3A_1285 = arith.cmpi eq, %iota3A_11, %eq3A_1284 : vector<32x128xi32>
    %convert_element_type3A_1286 = arith.extui %eq3A_1285 : vector<32x128xi1> to vector<32x128xi32>
    %convert_element_type3A_1287 = arith.sitofp %convert_element_type3A_1286 : vector<32x128xi32> to vector<32x128xf32>
    %reduce_sum3A_1288 = arith.constant dense<0.000000e+00> : vector<32xf32>
    %reduce_sum3A_1289 = vector.multi_reduction <add>, %slice3A_1274, %reduce_sum3A_1288 [1] : vector<32x128xf32> to vector<32xf32>
    %broadcast_in_dim3A_1290 = vector.shape_cast %reduce_sum3A_1289 : vector<32xf32> to vector<32x1xf32>
    %max3A_1291 = arith.constant 1.000000e+00 : f32
    %max3A_1292 = vector.broadcast %max3A_1291 : f32 to vector<32x1xf32>
    %max3A_1293 = arith.maximumf %broadcast_in_dim3A_1290, %max3A_1292 : vector<32x1xf32>
    %div3A_1294 = vector.broadcast %max3A_1293 : vector<32x1xf32> to vector<32x128xf32>
    %div3A_1295 = arith.divf %slice3A_1274, %div3A_1294 : vector<32x128xf32>
    %broadcast_in_dim3A_1296 = vector.shape_cast %gt3A_1280 : vector<32x1xi1> to vector<32x1xi1>
    %broadcast_in_dim3A_1297 = vector.broadcast %broadcast_in_dim3A_1296 : vector<32x1xi1> to vector<32x128xi1>
    %select_n3A_1298 = arith.select %broadcast_in_dim3A_1297, %convert_element_type3A_1287, %div3A_1295 : vector<32x128xi1>, vector<32x128xf32>
    %swap3A_1299 = arith.constant 0 : index
    %swap3A_1300 = arith.constant 896 : index
    %swap3A_1301 = vector.load %arg7[%swap3A_1299, %swap3A_1300] : memref<32x1536xf32, #tpu.memory_space<vmem>>, vector<32x128xf32>
    tpu.vector_store %arg7[%swap3A_1299, %swap3A_1300], %select_n3A_1298 {strides = array<i32>} : memref<32x1536xf32, #tpu.memory_space<vmem>>, vector<32x128xf32>,
    %slice3A_1302 = vector.extract_strided_slice %get3A_7 {offsets = [0, 7], sizes = [32, 1], strides = [1, 1]} : vector<32x12xi32> to vector<32x1xi32>
    %sub3A_1303 = arith.constant 1 : i32
    %sub3A_1304 = vector.broadcast %sub3A_1303 : i32 to vector<32x1xi32>
    %sub3A_1305 = arith.subi %slice3A_1302, %sub3A_1304 : vector<32x1xi32>
    %max3A_1306 = arith.constant 0 : i32
    %max3A_1307 = vector.broadcast %max3A_1306 : i32 to vector<32x1xi32>
    %max3A_1308 = arith.maxsi %sub3A_1305, %max3A_1307 : vector<32x1xi32>
    %eq3A_1309 = vector.broadcast %max3A_1308 : vector<32x1xi32> to vector<32x128xi32>
    %eq3A_1310 = arith.cmpi eq, %iota3A_11, %eq3A_1309 : vector<32x128xi32>
    %convert_element_type3A_1311 = arith.extui %eq3A_1310 : vector<32x128xi1> to vector<32x128xi32>
    %convert_element_type3A_1312 = arith.sitofp %convert_element_type3A_1311 : vector<32x128xi32> to vector<32x128xf32>
    %reduce_sum3A_1313 = arith.constant dense<0.000000e+00> : vector<32xf32>
    %reduce_sum3A_1314 = vector.multi_reduction <add>, %slice3A_1275, %reduce_sum3A_1313 [1] : vector<32x128xf32> to vector<32xf32>
    %broadcast_in_dim3A_1315 = vector.shape_cast %reduce_sum3A_1314 : vector<32xf32> to vector<32x1xf32>
    %max3A_1316 = arith.constant 1.000000e+00 : f32
    %max3A_1317 = vector.broadcast %max3A_1316 : f32 to vector<32x1xf32>
    %max3A_1318 = arith.maximumf %broadcast_in_dim3A_1315, %max3A_1317 : vector<32x1xf32>
    %div3A_1319 = vector.broadcast %max3A_1318 : vector<32x1xf32> to vector<32x128xf32>
    %div3A_1320 = arith.divf %slice3A_1275, %div3A_1319 : vector<32x128xf32>
    %broadcast_in_dim3A_1321 = vector.shape_cast %gt3A_1280 : vector<32x1xi1> to vector<32x1xi1>
    %broadcast_in_dim3A_1322 = vector.broadcast %broadcast_in_dim3A_1321 : vector<32x1xi1> to vector<32x128xi1>
    %select_n3A_1323 = arith.select %broadcast_in_dim3A_1322, %convert_element_type3A_1312, %div3A_1320 : vector<32x128xi1>, vector<32x128xf32>
    %swap3A_1324 = arith.constant 0 : index
    %swap3A_1325 = arith.constant 896 : index
    %swap3A_1326 = vector.load %arg8[%swap3A_1324, %swap3A_1325] : memref<32x1536xf32, #tpu.memory_space<vmem>>, vector<32x128xf32>
    tpu.vector_store %arg8[%swap3A_1324, %swap3A_1325], %select_n3A_1323 {strides = array<i32>} : memref<32x1536xf32, #tpu.memory_space<vmem>>, vector<32x128xf32>,
    %broadcast_in_dim3A_1327 = arith.constant 0.000000e+00 : f32
    %broadcast_in_dim3A_1328 = vector.broadcast %broadcast_in_dim3A_1327 : f32 to vector<32x512xf32>
    %broadcast_in_dim3A_1329 = arith.constant 0 : i32
    %broadcast_in_dim3A_1330 = vector.broadcast %broadcast_in_dim3A_1329 : i32 to vector<32x1xi32>
    %slice3A_1331 = vector.extract_strided_slice %get3A_10 {offsets = [0, 28], sizes = [32, 1], strides = [1, 1]} : vector<32x48xi32> to vector<32x1xi32>
    %sub3A_1332 = arith.constant 1 : i32
    %sub3A_1333 = vector.broadcast %sub3A_1332 : i32 to vector<32x1xi32>
    %sub3A_1334 = arith.subi %slice3A_1331, %sub3A_1333 : vector<32x1xi32>
    %eq3A_1335 = vector.broadcast %sub3A_1334 : vector<32x1xi32> to vector<32x512xi32>
    %eq3A_1336 = arith.cmpi eq, %iota3A_12, %eq3A_1335 : vector<32x512xi32>
    %convert_element_type3A_1337 = arith.extui %eq3A_1336 : vector<32x512xi1> to vector<32x512xi32>
    %convert_element_type3A_1338 = arith.sitofp %convert_element_type3A_1337 : vector<32x512xi32> to vector<32x512xf32>
    %add3A_1339 = arith.addf %broadcast_in_dim3A_1328, %convert_element_type3A_1338 : vector<32x512xf32>
    %add3A_1340 = arith.addi %broadcast_in_dim3A_1330, %slice3A_1331 : vector<32x1xi32>
    %slice3A_1341 = vector.extract_strided_slice %get3A_10 {offsets = [0, 29], sizes = [32, 1], strides = [1, 1]} : vector<32x48xi32> to vector<32x1xi32>
    %sub3A_1342 = arith.constant 1 : i32
    %sub3A_1343 = vector.broadcast %sub3A_1342 : i32 to vector<32x1xi32>
    %sub3A_1344 = arith.subi %slice3A_1341, %sub3A_1343 : vector<32x1xi32>
    %eq3A_1345 = vector.broadcast %sub3A_1344 : vector<32x1xi32> to vector<32x512xi32>
    %eq3A_1346 = arith.cmpi eq, %iota3A_12, %eq3A_1345 : vector<32x512xi32>
    %convert_element_type3A_1347 = arith.extui %eq3A_1346 : vector<32x512xi1> to vector<32x512xi32>
    %convert_element_type3A_1348 = arith.sitofp %convert_element_type3A_1347 : vector<32x512xi32> to vector<32x512xf32>
    %add3A_1349 = arith.addf %add3A_1339, %convert_element_type3A_1348 : vector<32x512xf32>
    %add3A_1350 = arith.addi %add3A_1340, %slice3A_1341 : vector<32x1xi32>
    %slice3A_1351 = vector.extract_strided_slice %get3A_10 {offsets = [0, 30], sizes = [32, 1], strides = [1, 1]} : vector<32x48xi32> to vector<32x1xi32>
    %sub3A_1352 = arith.constant 1 : i32
    %sub3A_1353 = vector.broadcast %sub3A_1352 : i32 to vector<32x1xi32>
    %sub3A_1354 = arith.subi %slice3A_1351, %sub3A_1353 : vector<32x1xi32>
    %eq3A_1355 = vector.broadcast %sub3A_1354 : vector<32x1xi32> to vector<32x512xi32>
    %eq3A_1356 = arith.cmpi eq, %iota3A_12, %eq3A_1355 : vector<32x512xi32>
    %convert_element_type3A_1357 = arith.extui %eq3A_1356 : vector<32x512xi1> to vector<32x512xi32>
    %convert_element_type3A_1358 = arith.sitofp %convert_element_type3A_1357 : vector<32x512xi32> to vector<32x512xf32>
    %add3A_1359 = arith.addf %add3A_1349, %convert_element_type3A_1358 : vector<32x512xf32>
    %add3A_1360 = arith.addi %add3A_1350, %slice3A_1351 : vector<32x1xi32>
    %slice3A_1361 = vector.extract_strided_slice %get3A_10 {offsets = [0, 31], sizes = [32, 1], strides = [1, 1]} : vector<32x48xi32> to vector<32x1xi32>
    %sub3A_1362 = arith.constant 1 : i32
    %sub3A_1363 = vector.broadcast %sub3A_1362 : i32 to vector<32x1xi32>
    %sub3A_1364 = arith.subi %slice3A_1361, %sub3A_1363 : vector<32x1xi32>
    %eq3A_1365 = vector.broadcast %sub3A_1364 : vector<32x1xi32> to vector<32x512xi32>
    %eq3A_1366 = arith.cmpi eq, %iota3A_12, %eq3A_1365 : vector<32x512xi32>
    %convert_element_type3A_1367 = arith.extui %eq3A_1366 : vector<32x512xi1> to vector<32x512xi32>
    %convert_element_type3A_1368 = arith.sitofp %convert_element_type3A_1367 : vector<32x512xi32> to vector<32x512xf32>
    %add3A_1369 = arith.addf %add3A_1359, %convert_element_type3A_1368 : vector<32x512xf32>
    %add3A_1370 = arith.addi %add3A_1360, %slice3A_1361 : vector<32x1xi32>
    %sub3A_1371 = arith.subf %slice3A_1276, %add3A_1369 : vector<32x512xf32>
    %reduce_sum3A_1372 = arith.constant dense<0.000000e+00> : vector<32xf32>
    %reduce_sum3A_1373 = vector.multi_reduction <add>, %sub3A_1371, %reduce_sum3A_1372 [1] : vector<32x512xf32> to vector<32xf32>
    %broadcast_in_dim3A_1374 = vector.shape_cast %reduce_sum3A_1373 : vector<32xf32> to vector<32x1xf32>
    %max3A_1375 = arith.constant 1.000000e+00 : f32
    %max3A_1376 = vector.broadcast %max3A_1375 : f32 to vector<32x1xf32>
    %max3A_1377 = arith.maximumf %broadcast_in_dim3A_1374, %max3A_1376 : vector<32x1xf32>
    %div3A_1378 = vector.broadcast %max3A_1377 : vector<32x1xf32> to vector<32x512xf32>
    %div3A_1379 = arith.divf %sub3A_1371, %div3A_1378 : vector<32x512xf32>
    %gt3A_1380 = arith.constant 0.000000e+00 : f32
    %gt3A_1381 = vector.broadcast %gt3A_1380 : f32 to vector<32x512xf32>
    %gt3A_1382 = arith.cmpf ogt, %add3A_1369, %gt3A_1381 : vector<32x512xf32>
    %convert_element_type3A_1383 = arith.extui %gt3A_1382 : vector<32x512xi1> to vector<32x512xi32>
    %convert_element_type3A_1384 = arith.sitofp %convert_element_type3A_1383 : vector<32x512xi32> to vector<32x512xf32>
    %reduce_sum3A_1385 = arith.constant dense<0.000000e+00> : vector<32xf32>
    %reduce_sum3A_1386 = vector.multi_reduction <add>, %convert_element_type3A_1384, %reduce_sum3A_1385 [1] : vector<32x512xf32> to vector<32xf32>
    %broadcast_in_dim3A_1387 = vector.shape_cast %reduce_sum3A_1386 : vector<32xf32> to vector<32x1xf32>
    %sub3A_1388 = arith.constant 4.000000e+00 : f32
    %sub3A_1389 = vector.broadcast %sub3A_1388 : f32 to vector<32x1xf32>
    %sub3A_1390 = arith.subf %sub3A_1389, %broadcast_in_dim3A_1387 : vector<32x1xf32>
    %ne3A_1391 = arith.constant 0 : i32
    %ne3A_1392 = vector.broadcast %ne3A_1391 : i32 to vector<32x1xi32>
    %ne3A_1393 = arith.cmpi ne, %add3A_1370, %ne3A_1392 : vector<32x1xi32>
    %and3A_1394 = arith.andi %slice3A_1268, %ne3A_1393 : vector<32x1xi1>
    %mul3A_1395 = vector.broadcast %sub3A_1390 : vector<32x1xf32> to vector<32x512xf32>
    %mul3A_1396 = arith.mulf %mul3A_1395, %div3A_1379 : vector<32x512xf32>
    %add3A_1397 = arith.addf %add3A_1369, %mul3A_1396 : vector<32x512xf32>
    %mul3A_1398 = arith.constant 4.000000e+00 : f32
    %mul3A_1399 = vector.broadcast %mul3A_1398 : f32 to vector<32x512xf32>
    %mul3A_1400 = arith.mulf %mul3A_1399, %div3A_1379 : vector<32x512xf32>
    %broadcast_in_dim3A_1401 = vector.shape_cast %and3A_1394 : vector<32x1xi1> to vector<32x1xi1>
    %broadcast_in_dim3A_1402 = vector.broadcast %broadcast_in_dim3A_1401 : vector<32x1xi1> to vector<32x512xi1>
    %select_n3A_1403 = arith.select %broadcast_in_dim3A_1402, %add3A_1397, %mul3A_1400 : vector<32x512xi1>, vector<32x512xf32>
    %swap3A_1404 = arith.constant 0 : index
    %swap3A_1405 = arith.constant 3584 : index
    %swap3A_1406 = vector.load %arg9[%swap3A_1404, %swap3A_1405] : memref<32x6144xf32, #tpu.memory_space<vmem>>, vector<32x512xf32>
    tpu.vector_store %arg9[%swap3A_1404, %swap3A_1405], %select_n3A_1403 {strides = array<i32>} : memref<32x6144xf32, #tpu.memory_space<vmem>>, vector<32x512xf32>,
    %slice3A_1407 = vector.extract_strided_slice %dot_general3A_289 {offsets = [256, 0], sizes = [32, 768], strides = [1, 1]} : vector<384x768xf32> to vector<32x768xf32>
    %slice3A_1408 = vector.extract_strided_slice %gt3A_118 {offsets = [0, 8], sizes = [32, 1], strides = [1, 1]} : vector<32x12xi1> to vector<32x1xi1>
    %jit3A_1409 = arith.constant 1.000000e+00 : f32
    %broadcast_in_dim3A_1410 = vector.broadcast %jit3A_1409 : f32 to vector<32x1xf32>
    %select_n3A_1411 = arith.select %slice3A_1408, %broadcast_in_dim3A_1410, %div3A_129 : vector<32x1xi1>, vector<32x1xf32>
    %mul3A_1412 = vector.broadcast %select_n3A_1411 : vector<32x1xf32> to vector<32x768xf32>
    %mul3A_1413 = arith.mulf %slice3A_1407, %mul3A_1412 : vector<32x768xf32>
    %slice3A_1414 = vector.extract_strided_slice %mul3A_1413 {offsets = [0, 0], sizes = [32, 128], strides = [1, 1]} : vector<32x768xf32> to vector<32x128xf32>
    %slice3A_1415 = vector.extract_strided_slice %mul3A_1413 {offsets = [0, 128], sizes = [32, 128], strides = [1, 1]} : vector<32x768xf32> to vector<32x128xf32>
    %slice3A_1416 = vector.extract_strided_slice %mul3A_1413 {offsets = [0, 256], sizes = [32, 512], strides = [1, 1]} : vector<32x768xf32> to vector<32x512xf32>
    %slice3A_1417 = vector.extract_strided_slice %get3A_4 {offsets = [0, 8], sizes = [32, 1], strides = [1, 1]} : vector<32x12xi32> to vector<32x1xi32>
    %gt3A_1418 = arith.constant 0 : i32
    %gt3A_1419 = vector.broadcast %gt3A_1418 : i32 to vector<32x1xi32>
    %gt3A_1420 = arith.cmpi sgt, %slice3A_1417, %gt3A_1419 : vector<32x1xi32>
    %sub3A_1421 = arith.constant 1 : i32
    %sub3A_1422 = vector.broadcast %sub3A_1421 : i32 to vector<32x1xi32>
    %sub3A_1423 = arith.subi %slice3A_1417, %sub3A_1422 : vector<32x1xi32>
    %eq3A_1424 = vector.broadcast %sub3A_1423 : vector<32x1xi32> to vector<32x128xi32>
    %eq3A_1425 = arith.cmpi eq, %iota3A_11, %eq3A_1424 : vector<32x128xi32>
    %convert_element_type3A_1426 = arith.extui %eq3A_1425 : vector<32x128xi1> to vector<32x128xi32>
    %convert_element_type3A_1427 = arith.sitofp %convert_element_type3A_1426 : vector<32x128xi32> to vector<32x128xf32>
    %reduce_sum3A_1428 = arith.constant dense<0.000000e+00> : vector<32xf32>
    %reduce_sum3A_1429 = vector.multi_reduction <add>, %slice3A_1414, %reduce_sum3A_1428 [1] : vector<32x128xf32> to vector<32xf32>
    %broadcast_in_dim3A_1430 = vector.shape_cast %reduce_sum3A_1429 : vector<32xf32> to vector<32x1xf32>
    %max3A_1431 = arith.constant 1.000000e+00 : f32
    %max3A_1432 = vector.broadcast %max3A_1431 : f32 to vector<32x1xf32>
    %max3A_1433 = arith.maximumf %broadcast_in_dim3A_1430, %max3A_1432 : vector<32x1xf32>
    %div3A_1434 = vector.broadcast %max3A_1433 : vector<32x1xf32> to vector<32x128xf32>
    %div3A_1435 = arith.divf %slice3A_1414, %div3A_1434 : vector<32x128xf32>
    %broadcast_in_dim3A_1436 = vector.shape_cast %gt3A_1420 : vector<32x1xi1> to vector<32x1xi1>
    %broadcast_in_dim3A_1437 = vector.broadcast %broadcast_in_dim3A_1436 : vector<32x1xi1> to vector<32x128xi1>
    %select_n3A_1438 = arith.select %broadcast_in_dim3A_1437, %convert_element_type3A_1427, %div3A_1435 : vector<32x128xi1>, vector<32x128xf32>
    %swap3A_1439 = arith.constant 0 : index
    %swap3A_1440 = arith.constant 1024 : index
    %swap3A_1441 = vector.load %arg7[%swap3A_1439, %swap3A_1440] : memref<32x1536xf32, #tpu.memory_space<vmem>>, vector<32x128xf32>
    tpu.vector_store %arg7[%swap3A_1439, %swap3A_1440], %select_n3A_1438 {strides = array<i32>} : memref<32x1536xf32, #tpu.memory_space<vmem>>, vector<32x128xf32>,
    %slice3A_1442 = vector.extract_strided_slice %get3A_7 {offsets = [0, 8], sizes = [32, 1], strides = [1, 1]} : vector<32x12xi32> to vector<32x1xi32>
    %sub3A_1443 = arith.constant 1 : i32
    %sub3A_1444 = vector.broadcast %sub3A_1443 : i32 to vector<32x1xi32>
    %sub3A_1445 = arith.subi %slice3A_1442, %sub3A_1444 : vector<32x1xi32>
    %max3A_1446 = arith.constant 0 : i32
    %max3A_1447 = vector.broadcast %max3A_1446 : i32 to vector<32x1xi32>
    %max3A_1448 = arith.maxsi %sub3A_1445, %max3A_1447 : vector<32x1xi32>
    %eq3A_1449 = vector.broadcast %max3A_1448 : vector<32x1xi32> to vector<32x128xi32>
    %eq3A_1450 = arith.cmpi eq, %iota3A_11, %eq3A_1449 : vector<32x128xi32>
    %convert_element_type3A_1451 = arith.extui %eq3A_1450 : vector<32x128xi1> to vector<32x128xi32>
    %convert_element_type3A_1452 = arith.sitofp %convert_element_type3A_1451 : vector<32x128xi32> to vector<32x128xf32>
    %reduce_sum3A_1453 = arith.constant dense<0.000000e+00> : vector<32xf32>
    %reduce_sum3A_1454 = vector.multi_reduction <add>, %slice3A_1415, %reduce_sum3A_1453 [1] : vector<32x128xf32> to vector<32xf32>
    %broadcast_in_dim3A_1455 = vector.shape_cast %reduce_sum3A_1454 : vector<32xf32> to vector<32x1xf32>
    %max3A_1456 = arith.constant 1.000000e+00 : f32
    %max3A_1457 = vector.broadcast %max3A_1456 : f32 to vector<32x1xf32>
    %max3A_1458 = arith.maximumf %broadcast_in_dim3A_1455, %max3A_1457 : vector<32x1xf32>
    %div3A_1459 = vector.broadcast %max3A_1458 : vector<32x1xf32> to vector<32x128xf32>
    %div3A_1460 = arith.divf %slice3A_1415, %div3A_1459 : vector<32x128xf32>
    %broadcast_in_dim3A_1461 = vector.shape_cast %gt3A_1420 : vector<32x1xi1> to vector<32x1xi1>
    %broadcast_in_dim3A_1462 = vector.broadcast %broadcast_in_dim3A_1461 : vector<32x1xi1> to vector<32x128xi1>
    %select_n3A_1463 = arith.select %broadcast_in_dim3A_1462, %convert_element_type3A_1452, %div3A_1460 : vector<32x128xi1>, vector<32x128xf32>
    %swap3A_1464 = arith.constant 0 : index
    %swap3A_1465 = arith.constant 1024 : index
    %swap3A_1466 = vector.load %arg8[%swap3A_1464, %swap3A_1465] : memref<32x1536xf32, #tpu.memory_space<vmem>>, vector<32x128xf32>
    tpu.vector_store %arg8[%swap3A_1464, %swap3A_1465], %select_n3A_1463 {strides = array<i32>} : memref<32x1536xf32, #tpu.memory_space<vmem>>, vector<32x128xf32>,
    %broadcast_in_dim3A_1467 = arith.constant 0.000000e+00 : f32
    %broadcast_in_dim3A_1468 = vector.broadcast %broadcast_in_dim3A_1467 : f32 to vector<32x512xf32>
    %broadcast_in_dim3A_1469 = arith.constant 0 : i32
    %broadcast_in_dim3A_1470 = vector.broadcast %broadcast_in_dim3A_1469 : i32 to vector<32x1xi32>
    %slice3A_1471 = vector.extract_strided_slice %get3A_10 {offsets = [0, 32], sizes = [32, 1], strides = [1, 1]} : vector<32x48xi32> to vector<32x1xi32>
    %sub3A_1472 = arith.constant 1 : i32
    %sub3A_1473 = vector.broadcast %sub3A_1472 : i32 to vector<32x1xi32>
    %sub3A_1474 = arith.subi %slice3A_1471, %sub3A_1473 : vector<32x1xi32>
    %eq3A_1475 = vector.broadcast %sub3A_1474 : vector<32x1xi32> to vector<32x512xi32>
    %eq3A_1476 = arith.cmpi eq, %iota3A_12, %eq3A_1475 : vector<32x512xi32>
    %convert_element_type3A_1477 = arith.extui %eq3A_1476 : vector<32x512xi1> to vector<32x512xi32>
    %convert_element_type3A_1478 = arith.sitofp %convert_element_type3A_1477 : vector<32x512xi32> to vector<32x512xf32>
    %add3A_1479 = arith.addf %broadcast_in_dim3A_1468, %convert_element_type3A_1478 : vector<32x512xf32>
    %add3A_1480 = arith.addi %broadcast_in_dim3A_1470, %slice3A_1471 : vector<32x1xi32>
    %slice3A_1481 = vector.extract_strided_slice %get3A_10 {offsets = [0, 33], sizes = [32, 1], strides = [1, 1]} : vector<32x48xi32> to vector<32x1xi32>
    %sub3A_1482 = arith.constant 1 : i32
    %sub3A_1483 = vector.broadcast %sub3A_1482 : i32 to vector<32x1xi32>
    %sub3A_1484 = arith.subi %slice3A_1481, %sub3A_1483 : vector<32x1xi32>
    %eq3A_1485 = vector.broadcast %sub3A_1484 : vector<32x1xi32> to vector<32x512xi32>
    %eq3A_1486 = arith.cmpi eq, %iota3A_12, %eq3A_1485 : vector<32x512xi32>
    %convert_element_type3A_1487 = arith.extui %eq3A_1486 : vector<32x512xi1> to vector<32x512xi32>
    %convert_element_type3A_1488 = arith.sitofp %convert_element_type3A_1487 : vector<32x512xi32> to vector<32x512xf32>
    %add3A_1489 = arith.addf %add3A_1479, %convert_element_type3A_1488 : vector<32x512xf32>
    %add3A_1490 = arith.addi %add3A_1480, %slice3A_1481 : vector<32x1xi32>
    %slice3A_1491 = vector.extract_strided_slice %get3A_10 {offsets = [0, 34], sizes = [32, 1], strides = [1, 1]} : vector<32x48xi32> to vector<32x1xi32>
    %sub3A_1492 = arith.constant 1 : i32
    %sub3A_1493 = vector.broadcast %sub3A_1492 : i32 to vector<32x1xi32>
    %sub3A_1494 = arith.subi %slice3A_1491, %sub3A_1493 : vector<32x1xi32>
    %eq3A_1495 = vector.broadcast %sub3A_1494 : vector<32x1xi32> to vector<32x512xi32>
    %eq3A_1496 = arith.cmpi eq, %iota3A_12, %eq3A_1495 : vector<32x512xi32>
    %convert_element_type3A_1497 = arith.extui %eq3A_1496 : vector<32x512xi1> to vector<32x512xi32>
    %convert_element_type3A_1498 = arith.sitofp %convert_element_type3A_1497 : vector<32x512xi32> to vector<32x512xf32>
    %add3A_1499 = arith.addf %add3A_1489, %convert_element_type3A_1498 : vector<32x512xf32>
    %add3A_1500 = arith.addi %add3A_1490, %slice3A_1491 : vector<32x1xi32>
    %slice3A_1501 = vector.extract_strided_slice %get3A_10 {offsets = [0, 35], sizes = [32, 1], strides = [1, 1]} : vector<32x48xi32> to vector<32x1xi32>
    %sub3A_1502 = arith.constant 1 : i32
    %sub3A_1503 = vector.broadcast %sub3A_1502 : i32 to vector<32x1xi32>
    %sub3A_1504 = arith.subi %slice3A_1501, %sub3A_1503 : vector<32x1xi32>
    %eq3A_1505 = vector.broadcast %sub3A_1504 : vector<32x1xi32> to vector<32x512xi32>
    %eq3A_1506 = arith.cmpi eq, %iota3A_12, %eq3A_1505 : vector<32x512xi32>
    %convert_element_type3A_1507 = arith.extui %eq3A_1506 : vector<32x512xi1> to vector<32x512xi32>
    %convert_element_type3A_1508 = arith.sitofp %convert_element_type3A_1507 : vector<32x512xi32> to vector<32x512xf32>
    %add3A_1509 = arith.addf %add3A_1499, %convert_element_type3A_1508 : vector<32x512xf32>
    %add3A_1510 = arith.addi %add3A_1500, %slice3A_1501 : vector<32x1xi32>
    %sub3A_1511 = arith.subf %slice3A_1416, %add3A_1509 : vector<32x512xf32>
    %reduce_sum3A_1512 = arith.constant dense<0.000000e+00> : vector<32xf32>
    %reduce_sum3A_1513 = vector.multi_reduction <add>, %sub3A_1511, %reduce_sum3A_1512 [1] : vector<32x512xf32> to vector<32xf32>
    %broadcast_in_dim3A_1514 = vector.shape_cast %reduce_sum3A_1513 : vector<32xf32> to vector<32x1xf32>
    %max3A_1515 = arith.constant 1.000000e+00 : f32
    %max3A_1516 = vector.broadcast %max3A_1515 : f32 to vector<32x1xf32>
    %max3A_1517 = arith.maximumf %broadcast_in_dim3A_1514, %max3A_1516 : vector<32x1xf32>
    %div3A_1518 = vector.broadcast %max3A_1517 : vector<32x1xf32> to vector<32x512xf32>
    %div3A_1519 = arith.divf %sub3A_1511, %div3A_1518 : vector<32x512xf32>
    %gt3A_1520 = arith.constant 0.000000e+00 : f32
    %gt3A_1521 = vector.broadcast %gt3A_1520 : f32 to vector<32x512xf32>
    %gt3A_1522 = arith.cmpf ogt, %add3A_1509, %gt3A_1521 : vector<32x512xf32>
    %convert_element_type3A_1523 = arith.extui %gt3A_1522 : vector<32x512xi1> to vector<32x512xi32>
    %convert_element_type3A_1524 = arith.sitofp %convert_element_type3A_1523 : vector<32x512xi32> to vector<32x512xf32>
    %reduce_sum3A_1525 = arith.constant dense<0.000000e+00> : vector<32xf32>
    %reduce_sum3A_1526 = vector.multi_reduction <add>, %convert_element_type3A_1524, %reduce_sum3A_1525 [1] : vector<32x512xf32> to vector<32xf32>
    %broadcast_in_dim3A_1527 = vector.shape_cast %reduce_sum3A_1526 : vector<32xf32> to vector<32x1xf32>
    %sub3A_1528 = arith.constant 4.000000e+00 : f32
    %sub3A_1529 = vector.broadcast %sub3A_1528 : f32 to vector<32x1xf32>
    %sub3A_1530 = arith.subf %sub3A_1529, %broadcast_in_dim3A_1527 : vector<32x1xf32>
    %ne3A_1531 = arith.constant 0 : i32
    %ne3A_1532 = vector.broadcast %ne3A_1531 : i32 to vector<32x1xi32>
    %ne3A_1533 = arith.cmpi ne, %add3A_1510, %ne3A_1532 : vector<32x1xi32>
    %and3A_1534 = arith.andi %slice3A_1408, %ne3A_1533 : vector<32x1xi1>
    %mul3A_1535 = vector.broadcast %sub3A_1530 : vector<32x1xf32> to vector<32x512xf32>
    %mul3A_1536 = arith.mulf %mul3A_1535, %div3A_1519 : vector<32x512xf32>
    %add3A_1537 = arith.addf %add3A_1509, %mul3A_1536 : vector<32x512xf32>
    %mul3A_1538 = arith.constant 4.000000e+00 : f32
    %mul3A_1539 = vector.broadcast %mul3A_1538 : f32 to vector<32x512xf32>
    %mul3A_1540 = arith.mulf %mul3A_1539, %div3A_1519 : vector<32x512xf32>
    %broadcast_in_dim3A_1541 = vector.shape_cast %and3A_1534 : vector<32x1xi1> to vector<32x1xi1>
    %broadcast_in_dim3A_1542 = vector.broadcast %broadcast_in_dim3A_1541 : vector<32x1xi1> to vector<32x512xi1>
    %select_n3A_1543 = arith.select %broadcast_in_dim3A_1542, %add3A_1537, %mul3A_1540 : vector<32x512xi1>, vector<32x512xf32>
    %swap3A_1544 = arith.constant 0 : index
    %swap3A_1545 = arith.constant 4096 : index
    %swap3A_1546 = vector.load %arg9[%swap3A_1544, %swap3A_1545] : memref<32x6144xf32, #tpu.memory_space<vmem>>, vector<32x512xf32>
    tpu.vector_store %arg9[%swap3A_1544, %swap3A_1545], %select_n3A_1543 {strides = array<i32>} : memref<32x6144xf32, #tpu.memory_space<vmem>>, vector<32x512xf32>,
    %slice3A_1547 = vector.extract_strided_slice %dot_general3A_289 {offsets = [288, 0], sizes = [32, 768], strides = [1, 1]} : vector<384x768xf32> to vector<32x768xf32>
    %slice3A_1548 = vector.extract_strided_slice %gt3A_118 {offsets = [0, 9], sizes = [32, 1], strides = [1, 1]} : vector<32x12xi1> to vector<32x1xi1>
    %jit3A_1549 = arith.constant 1.000000e+00 : f32
    %broadcast_in_dim3A_1550 = vector.broadcast %jit3A_1549 : f32 to vector<32x1xf32>
    %select_n3A_1551 = arith.select %slice3A_1548, %broadcast_in_dim3A_1550, %div3A_129 : vector<32x1xi1>, vector<32x1xf32>
    %mul3A_1552 = vector.broadcast %select_n3A_1551 : vector<32x1xf32> to vector<32x768xf32>
    %mul3A_1553 = arith.mulf %slice3A_1547, %mul3A_1552 : vector<32x768xf32>
    %slice3A_1554 = vector.extract_strided_slice %mul3A_1553 {offsets = [0, 0], sizes = [32, 128], strides = [1, 1]} : vector<32x768xf32> to vector<32x128xf32>
    %slice3A_1555 = vector.extract_strided_slice %mul3A_1553 {offsets = [0, 128], sizes = [32, 128], strides = [1, 1]} : vector<32x768xf32> to vector<32x128xf32>
    %slice3A_1556 = vector.extract_strided_slice %mul3A_1553 {offsets = [0, 256], sizes = [32, 512], strides = [1, 1]} : vector<32x768xf32> to vector<32x512xf32>
    %slice3A_1557 = vector.extract_strided_slice %get3A_4 {offsets = [0, 9], sizes = [32, 1], strides = [1, 1]} : vector<32x12xi32> to vector<32x1xi32>
    %gt3A_1558 = arith.constant 0 : i32
    %gt3A_1559 = vector.broadcast %gt3A_1558 : i32 to vector<32x1xi32>
    %gt3A_1560 = arith.cmpi sgt, %slice3A_1557, %gt3A_1559 : vector<32x1xi32>
    %sub3A_1561 = arith.constant 1 : i32
    %sub3A_1562 = vector.broadcast %sub3A_1561 : i32 to vector<32x1xi32>
    %sub3A_1563 = arith.subi %slice3A_1557, %sub3A_1562 : vector<32x1xi32>
    %eq3A_1564 = vector.broadcast %sub3A_1563 : vector<32x1xi32> to vector<32x128xi32>
    %eq3A_1565 = arith.cmpi eq, %iota3A_11, %eq3A_1564 : vector<32x128xi32>
    %convert_element_type3A_1566 = arith.extui %eq3A_1565 : vector<32x128xi1> to vector<32x128xi32>
    %convert_element_type3A_1567 = arith.sitofp %convert_element_type3A_1566 : vector<32x128xi32> to vector<32x128xf32>
    %reduce_sum3A_1568 = arith.constant dense<0.000000e+00> : vector<32xf32>
    %reduce_sum3A_1569 = vector.multi_reduction <add>, %slice3A_1554, %reduce_sum3A_1568 [1] : vector<32x128xf32> to vector<32xf32>
    %broadcast_in_dim3A_1570 = vector.shape_cast %reduce_sum3A_1569 : vector<32xf32> to vector<32x1xf32>
    %max3A_1571 = arith.constant 1.000000e+00 : f32
    %max3A_1572 = vector.broadcast %max3A_1571 : f32 to vector<32x1xf32>
    %max3A_1573 = arith.maximumf %broadcast_in_dim3A_1570, %max3A_1572 : vector<32x1xf32>
    %div3A_1574 = vector.broadcast %max3A_1573 : vector<32x1xf32> to vector<32x128xf32>
    %div3A_1575 = arith.divf %slice3A_1554, %div3A_1574 : vector<32x128xf32>
    %broadcast_in_dim3A_1576 = vector.shape_cast %gt3A_1560 : vector<32x1xi1> to vector<32x1xi1>
    %broadcast_in_dim3A_1577 = vector.broadcast %broadcast_in_dim3A_1576 : vector<32x1xi1> to vector<32x128xi1>
    %select_n3A_1578 = arith.select %broadcast_in_dim3A_1577, %convert_element_type3A_1567, %div3A_1575 : vector<32x128xi1>, vector<32x128xf32>
    %swap3A_1579 = arith.constant 0 : index
    %swap3A_1580 = arith.constant 1152 : index
    %swap3A_1581 = vector.load %arg7[%swap3A_1579, %swap3A_1580] : memref<32x1536xf32, #tpu.memory_space<vmem>>, vector<32x128xf32>
    tpu.vector_store %arg7[%swap3A_1579, %swap3A_1580], %select_n3A_1578 {strides = array<i32>} : memref<32x1536xf32, #tpu.memory_space<vmem>>, vector<32x128xf32>,
    %slice3A_1582 = vector.extract_strided_slice %get3A_7 {offsets = [0, 9], sizes = [32, 1], strides = [1, 1]} : vector<32x12xi32> to vector<32x1xi32>
    %sub3A_1583 = arith.constant 1 : i32
    %sub3A_1584 = vector.broadcast %sub3A_1583 : i32 to vector<32x1xi32>
    %sub3A_1585 = arith.subi %slice3A_1582, %sub3A_1584 : vector<32x1xi32>
    %max3A_1586 = arith.constant 0 : i32
    %max3A_1587 = vector.broadcast %max3A_1586 : i32 to vector<32x1xi32>
    %max3A_1588 = arith.maxsi %sub3A_1585, %max3A_1587 : vector<32x1xi32>
    %eq3A_1589 = vector.broadcast %max3A_1588 : vector<32x1xi32> to vector<32x128xi32>
    %eq3A_1590 = arith.cmpi eq, %iota3A_11, %eq3A_1589 : vector<32x128xi32>
    %convert_element_type3A_1591 = arith.extui %eq3A_1590 : vector<32x128xi1> to vector<32x128xi32>
    %convert_element_type3A_1592 = arith.sitofp %convert_element_type3A_1591 : vector<32x128xi32> to vector<32x128xf32>
    %reduce_sum3A_1593 = arith.constant dense<0.000000e+00> : vector<32xf32>
    %reduce_sum3A_1594 = vector.multi_reduction <add>, %slice3A_1555, %reduce_sum3A_1593 [1] : vector<32x128xf32> to vector<32xf32>
    %broadcast_in_dim3A_1595 = vector.shape_cast %reduce_sum3A_1594 : vector<32xf32> to vector<32x1xf32>
    %max3A_1596 = arith.constant 1.000000e+00 : f32
    %max3A_1597 = vector.broadcast %max3A_1596 : f32 to vector<32x1xf32>
    %max3A_1598 = arith.maximumf %broadcast_in_dim3A_1595, %max3A_1597 : vector<32x1xf32>
    %div3A_1599 = vector.broadcast %max3A_1598 : vector<32x1xf32> to vector<32x128xf32>
    %div3A_1600 = arith.divf %slice3A_1555, %div3A_1599 : vector<32x128xf32>
    %broadcast_in_dim3A_1601 = vector.shape_cast %gt3A_1560 : vector<32x1xi1> to vector<32x1xi1>
    %broadcast_in_dim3A_1602 = vector.broadcast %broadcast_in_dim3A_1601 : vector<32x1xi1> to vector<32x128xi1>
    %select_n3A_1603 = arith.select %broadcast_in_dim3A_1602, %convert_element_type3A_1592, %div3A_1600 : vector<32x128xi1>, vector<32x128xf32>
    %swap3A_1604 = arith.constant 0 : index
    %swap3A_1605 = arith.constant 1152 : index
    %swap3A_1606 = vector.load %arg8[%swap3A_1604, %swap3A_1605] : memref<32x1536xf32, #tpu.memory_space<vmem>>, vector<32x128xf32>
    tpu.vector_store %arg8[%swap3A_1604, %swap3A_1605], %select_n3A_1603 {strides = array<i32>} : memref<32x1536xf32, #tpu.memory_space<vmem>>, vector<32x128xf32>,
    %broadcast_in_dim3A_1607 = arith.constant 0.000000e+00 : f32
    %broadcast_in_dim3A_1608 = vector.broadcast %broadcast_in_dim3A_1607 : f32 to vector<32x512xf32>
    %broadcast_in_dim3A_1609 = arith.constant 0 : i32
    %broadcast_in_dim3A_1610 = vector.broadcast %broadcast_in_dim3A_1609 : i32 to vector<32x1xi32>
    %slice3A_1611 = vector.extract_strided_slice %get3A_10 {offsets = [0, 36], sizes = [32, 1], strides = [1, 1]} : vector<32x48xi32> to vector<32x1xi32>
    %sub3A_1612 = arith.constant 1 : i32
    %sub3A_1613 = vector.broadcast %sub3A_1612 : i32 to vector<32x1xi32>
    %sub3A_1614 = arith.subi %slice3A_1611, %sub3A_1613 : vector<32x1xi32>
    %eq3A_1615 = vector.broadcast %sub3A_1614 : vector<32x1xi32> to vector<32x512xi32>
    %eq3A_1616 = arith.cmpi eq, %iota3A_12, %eq3A_1615 : vector<32x512xi32>
    %convert_element_type3A_1617 = arith.extui %eq3A_1616 : vector<32x512xi1> to vector<32x512xi32>
    %convert_element_type3A_1618 = arith.sitofp %convert_element_type3A_1617 : vector<32x512xi32> to vector<32x512xf32>
    %add3A_1619 = arith.addf %broadcast_in_dim3A_1608, %convert_element_type3A_1618 : vector<32x512xf32>
    %add3A_1620 = arith.addi %broadcast_in_dim3A_1610, %slice3A_1611 : vector<32x1xi32>
    %slice3A_1621 = vector.extract_strided_slice %get3A_10 {offsets = [0, 37], sizes = [32, 1], strides = [1, 1]} : vector<32x48xi32> to vector<32x1xi32>
    %sub3A_1622 = arith.constant 1 : i32
    %sub3A_1623 = vector.broadcast %sub3A_1622 : i32 to vector<32x1xi32>
    %sub3A_1624 = arith.subi %slice3A_1621, %sub3A_1623 : vector<32x1xi32>
    %eq3A_1625 = vector.broadcast %sub3A_1624 : vector<32x1xi32> to vector<32x512xi32>
    %eq3A_1626 = arith.cmpi eq, %iota3A_12, %eq3A_1625 : vector<32x512xi32>
    %convert_element_type3A_1627 = arith.extui %eq3A_1626 : vector<32x512xi1> to vector<32x512xi32>
    %convert_element_type3A_1628 = arith.sitofp %convert_element_type3A_1627 : vector<32x512xi32> to vector<32x512xf32>
    %add3A_1629 = arith.addf %add3A_1619, %convert_element_type3A_1628 : vector<32x512xf32>
    %add3A_1630 = arith.addi %add3A_1620, %slice3A_1621 : vector<32x1xi32>
    %slice3A_1631 = vector.extract_strided_slice %get3A_10 {offsets = [0, 38], sizes = [32, 1], strides = [1, 1]} : vector<32x48xi32> to vector<32x1xi32>
    %sub3A_1632 = arith.constant 1 : i32
    %sub3A_1633 = vector.broadcast %sub3A_1632 : i32 to vector<32x1xi32>
    %sub3A_1634 = arith.subi %slice3A_1631, %sub3A_1633 : vector<32x1xi32>
    %eq3A_1635 = vector.broadcast %sub3A_1634 : vector<32x1xi32> to vector<32x512xi32>
    %eq3A_1636 = arith.cmpi eq, %iota3A_12, %eq3A_1635 : vector<32x512xi32>
    %convert_element_type3A_1637 = arith.extui %eq3A_1636 : vector<32x512xi1> to vector<32x512xi32>
    %convert_element_type3A_1638 = arith.sitofp %convert_element_type3A_1637 : vector<32x512xi32> to vector<32x512xf32>
    %add3A_1639 = arith.addf %add3A_1629, %convert_element_type3A_1638 : vector<32x512xf32>
    %add3A_1640 = arith.addi %add3A_1630, %slice3A_1631 : vector<32x1xi32>
    %slice3A_1641 = vector.extract_strided_slice %get3A_10 {offsets = [0, 39], sizes = [32, 1], strides = [1, 1]} : vector<32x48xi32> to vector<32x1xi32>
    %sub3A_1642 = arith.constant 1 : i32
    %sub3A_1643 = vector.broadcast %sub3A_1642 : i32 to vector<32x1xi32>
    %sub3A_1644 = arith.subi %slice3A_1641, %sub3A_1643 : vector<32x1xi32>
    %eq3A_1645 = vector.broadcast %sub3A_1644 : vector<32x1xi32> to vector<32x512xi32>
    %eq3A_1646 = arith.cmpi eq, %iota3A_12, %eq3A_1645 : vector<32x512xi32>
    %convert_element_type3A_1647 = arith.extui %eq3A_1646 : vector<32x512xi1> to vector<32x512xi32>
    %convert_element_type3A_1648 = arith.sitofp %convert_element_type3A_1647 : vector<32x512xi32> to vector<32x512xf32>
    %add3A_1649 = arith.addf %add3A_1639, %convert_element_type3A_1648 : vector<32x512xf32>
    %add3A_1650 = arith.addi %add3A_1640, %slice3A_1641 : vector<32x1xi32>
    %sub3A_1651 = arith.subf %slice3A_1556, %add3A_1649 : vector<32x512xf32>
    %reduce_sum3A_1652 = arith.constant dense<0.000000e+00> : vector<32xf32>
    %reduce_sum3A_1653 = vector.multi_reduction <add>, %sub3A_1651, %reduce_sum3A_1652 [1] : vector<32x512xf32> to vector<32xf32>
    %broadcast_in_dim3A_1654 = vector.shape_cast %reduce_sum3A_1653 : vector<32xf32> to vector<32x1xf32>
    %max3A_1655 = arith.constant 1.000000e+00 : f32
    %max3A_1656 = vector.broadcast %max3A_1655 : f32 to vector<32x1xf32>
    %max3A_1657 = arith.maximumf %broadcast_in_dim3A_1654, %max3A_1656 : vector<32x1xf32>
    %div3A_1658 = vector.broadcast %max3A_1657 : vector<32x1xf32> to vector<32x512xf32>
    %div3A_1659 = arith.divf %sub3A_1651, %div3A_1658 : vector<32x512xf32>
    %gt3A_1660 = arith.constant 0.000000e+00 : f32
    %gt3A_1661 = vector.broadcast %gt3A_1660 : f32 to vector<32x512xf32>
    %gt3A_1662 = arith.cmpf ogt, %add3A_1649, %gt3A_1661 : vector<32x512xf32>
    %convert_element_type3A_1663 = arith.extui %gt3A_1662 : vector<32x512xi1> to vector<32x512xi32>
    %convert_element_type3A_1664 = arith.sitofp %convert_element_type3A_1663 : vector<32x512xi32> to vector<32x512xf32>
    %reduce_sum3A_1665 = arith.constant dense<0.000000e+00> : vector<32xf32>
    %reduce_sum3A_1666 = vector.multi_reduction <add>, %convert_element_type3A_1664, %reduce_sum3A_1665 [1] : vector<32x512xf32> to vector<32xf32>
    %broadcast_in_dim3A_1667 = vector.shape_cast %reduce_sum3A_1666 : vector<32xf32> to vector<32x1xf32>
    %sub3A_1668 = arith.constant 4.000000e+00 : f32
    %sub3A_1669 = vector.broadcast %sub3A_1668 : f32 to vector<32x1xf32>
    %sub3A_1670 = arith.subf %sub3A_1669, %broadcast_in_dim3A_1667 : vector<32x1xf32>
    %ne3A_1671 = arith.constant 0 : i32
    %ne3A_1672 = vector.broadcast %ne3A_1671 : i32 to vector<32x1xi32>
    %ne3A_1673 = arith.cmpi ne, %add3A_1650, %ne3A_1672 : vector<32x1xi32>
    %and3A_1674 = arith.andi %slice3A_1548, %ne3A_1673 : vector<32x1xi1>
    %mul3A_1675 = vector.broadcast %sub3A_1670 : vector<32x1xf32> to vector<32x512xf32>
    %mul3A_1676 = arith.mulf %mul3A_1675, %div3A_1659 : vector<32x512xf32>
    %add3A_1677 = arith.addf %add3A_1649, %mul3A_1676 : vector<32x512xf32>
    %mul3A_1678 = arith.constant 4.000000e+00 : f32
    %mul3A_1679 = vector.broadcast %mul3A_1678 : f32 to vector<32x512xf32>
    %mul3A_1680 = arith.mulf %mul3A_1679, %div3A_1659 : vector<32x512xf32>
    %broadcast_in_dim3A_1681 = vector.shape_cast %and3A_1674 : vector<32x1xi1> to vector<32x1xi1>
    %broadcast_in_dim3A_1682 = vector.broadcast %broadcast_in_dim3A_1681 : vector<32x1xi1> to vector<32x512xi1>
    %select_n3A_1683 = arith.select %broadcast_in_dim3A_1682, %add3A_1677, %mul3A_1680 : vector<32x512xi1>, vector<32x512xf32>
    %swap3A_1684 = arith.constant 0 : index
    %swap3A_1685 = arith.constant 4608 : index
    %swap3A_1686 = vector.load %arg9[%swap3A_1684, %swap3A_1685] : memref<32x6144xf32, #tpu.memory_space<vmem>>, vector<32x512xf32>
    tpu.vector_store %arg9[%swap3A_1684, %swap3A_1685], %select_n3A_1683 {strides = array<i32>} : memref<32x6144xf32, #tpu.memory_space<vmem>>, vector<32x512xf32>,
    %slice3A_1687 = vector.extract_strided_slice %dot_general3A_289 {offsets = [320, 0], sizes = [32, 768], strides = [1, 1]} : vector<384x768xf32> to vector<32x768xf32>
    %slice3A_1688 = vector.extract_strided_slice %gt3A_118 {offsets = [0, 10], sizes = [32, 1], strides = [1, 1]} : vector<32x12xi1> to vector<32x1xi1>
    %jit3A_1689 = arith.constant 1.000000e+00 : f32
    %broadcast_in_dim3A_1690 = vector.broadcast %jit3A_1689 : f32 to vector<32x1xf32>
    %select_n3A_1691 = arith.select %slice3A_1688, %broadcast_in_dim3A_1690, %div3A_129 : vector<32x1xi1>, vector<32x1xf32>
    %mul3A_1692 = vector.broadcast %select_n3A_1691 : vector<32x1xf32> to vector<32x768xf32>
    %mul3A_1693 = arith.mulf %slice3A_1687, %mul3A_1692 : vector<32x768xf32>
    %slice3A_1694 = vector.extract_strided_slice %mul3A_1693 {offsets = [0, 0], sizes = [32, 128], strides = [1, 1]} : vector<32x768xf32> to vector<32x128xf32>
    %slice3A_1695 = vector.extract_strided_slice %mul3A_1693 {offsets = [0, 128], sizes = [32, 128], strides = [1, 1]} : vector<32x768xf32> to vector<32x128xf32>
    %slice3A_1696 = vector.extract_strided_slice %mul3A_1693 {offsets = [0, 256], sizes = [32, 512], strides = [1, 1]} : vector<32x768xf32> to vector<32x512xf32>
    %slice3A_1697 = vector.extract_strided_slice %get3A_4 {offsets = [0, 10], sizes = [32, 1], strides = [1, 1]} : vector<32x12xi32> to vector<32x1xi32>
    %gt3A_1698 = arith.constant 0 : i32
    %gt3A_1699 = vector.broadcast %gt3A_1698 : i32 to vector<32x1xi32>
    %gt3A_1700 = arith.cmpi sgt, %slice3A_1697, %gt3A_1699 : vector<32x1xi32>
    %sub3A_1701 = arith.constant 1 : i32
    %sub3A_1702 = vector.broadcast %sub3A_1701 : i32 to vector<32x1xi32>
    %sub3A_1703 = arith.subi %slice3A_1697, %sub3A_1702 : vector<32x1xi32>
    %eq3A_1704 = vector.broadcast %sub3A_1703 : vector<32x1xi32> to vector<32x128xi32>
    %eq3A_1705 = arith.cmpi eq, %iota3A_11, %eq3A_1704 : vector<32x128xi32>
    %convert_element_type3A_1706 = arith.extui %eq3A_1705 : vector<32x128xi1> to vector<32x128xi32>
    %convert_element_type3A_1707 = arith.sitofp %convert_element_type3A_1706 : vector<32x128xi32> to vector<32x128xf32>
    %reduce_sum3A_1708 = arith.constant dense<0.000000e+00> : vector<32xf32>
    %reduce_sum3A_1709 = vector.multi_reduction <add>, %slice3A_1694, %reduce_sum3A_1708 [1] : vector<32x128xf32> to vector<32xf32>
    %broadcast_in_dim3A_1710 = vector.shape_cast %reduce_sum3A_1709 : vector<32xf32> to vector<32x1xf32>
    %max3A_1711 = arith.constant 1.000000e+00 : f32
    %max3A_1712 = vector.broadcast %max3A_1711 : f32 to vector<32x1xf32>
    %max3A_1713 = arith.maximumf %broadcast_in_dim3A_1710, %max3A_1712 : vector<32x1xf32>
    %div3A_1714 = vector.broadcast %max3A_1713 : vector<32x1xf32> to vector<32x128xf32>
    %div3A_1715 = arith.divf %slice3A_1694, %div3A_1714 : vector<32x128xf32>
    %broadcast_in_dim3A_1716 = vector.shape_cast %gt3A_1700 : vector<32x1xi1> to vector<32x1xi1>
    %broadcast_in_dim3A_1717 = vector.broadcast %broadcast_in_dim3A_1716 : vector<32x1xi1> to vector<32x128xi1>
    %select_n3A_1718 = arith.select %broadcast_in_dim3A_1717, %convert_element_type3A_1707, %div3A_1715 : vector<32x128xi1>, vector<32x128xf32>
    %swap3A_1719 = arith.constant 0 : index
    %swap3A_1720 = arith.constant 1280 : index
    %swap3A_1721 = vector.load %arg7[%swap3A_1719, %swap3A_1720] : memref<32x1536xf32, #tpu.memory_space<vmem>>, vector<32x128xf32>
    tpu.vector_store %arg7[%swap3A_1719, %swap3A_1720], %select_n3A_1718 {strides = array<i32>} : memref<32x1536xf32, #tpu.memory_space<vmem>>, vector<32x128xf32>,
    %slice3A_1722 = vector.extract_strided_slice %get3A_7 {offsets = [0, 10], sizes = [32, 1], strides = [1, 1]} : vector<32x12xi32> to vector<32x1xi32>
    %sub3A_1723 = arith.constant 1 : i32
    %sub3A_1724 = vector.broadcast %sub3A_1723 : i32 to vector<32x1xi32>
    %sub3A_1725 = arith.subi %slice3A_1722, %sub3A_1724 : vector<32x1xi32>
    %max3A_1726 = arith.constant 0 : i32
    %max3A_1727 = vector.broadcast %max3A_1726 : i32 to vector<32x1xi32>
    %max3A_1728 = arith.maxsi %sub3A_1725, %max3A_1727 : vector<32x1xi32>
    %eq3A_1729 = vector.broadcast %max3A_1728 : vector<32x1xi32> to vector<32x128xi32>
    %eq3A_1730 = arith.cmpi eq, %iota3A_11, %eq3A_1729 : vector<32x128xi32>
    %convert_element_type3A_1731 = arith.extui %eq3A_1730 : vector<32x128xi1> to vector<32x128xi32>
    %convert_element_type3A_1732 = arith.sitofp %convert_element_type3A_1731 : vector<32x128xi32> to vector<32x128xf32>
    %reduce_sum3A_1733 = arith.constant dense<0.000000e+00> : vector<32xf32>
    %reduce_sum3A_1734 = vector.multi_reduction <add>, %slice3A_1695, %reduce_sum3A_1733 [1] : vector<32x128xf32> to vector<32xf32>
    %broadcast_in_dim3A_1735 = vector.shape_cast %reduce_sum3A_1734 : vector<32xf32> to vector<32x1xf32>
    %max3A_1736 = arith.constant 1.000000e+00 : f32
    %max3A_1737 = vector.broadcast %max3A_1736 : f32 to vector<32x1xf32>
    %max3A_1738 = arith.maximumf %broadcast_in_dim3A_1735, %max3A_1737 : vector<32x1xf32>
    %div3A_1739 = vector.broadcast %max3A_1738 : vector<32x1xf32> to vector<32x128xf32>
    %div3A_1740 = arith.divf %slice3A_1695, %div3A_1739 : vector<32x128xf32>
    %broadcast_in_dim3A_1741 = vector.shape_cast %gt3A_1700 : vector<32x1xi1> to vector<32x1xi1>
    %broadcast_in_dim3A_1742 = vector.broadcast %broadcast_in_dim3A_1741 : vector<32x1xi1> to vector<32x128xi1>
    %select_n3A_1743 = arith.select %broadcast_in_dim3A_1742, %convert_element_type3A_1732, %div3A_1740 : vector<32x128xi1>, vector<32x128xf32>
    %swap3A_1744 = arith.constant 0 : index
    %swap3A_1745 = arith.constant 1280 : index
    %swap3A_1746 = vector.load %arg8[%swap3A_1744, %swap3A_1745] : memref<32x1536xf32, #tpu.memory_space<vmem>>, vector<32x128xf32>
    tpu.vector_store %arg8[%swap3A_1744, %swap3A_1745], %select_n3A_1743 {strides = array<i32>} : memref<32x1536xf32, #tpu.memory_space<vmem>>, vector<32x128xf32>,
    %broadcast_in_dim3A_1747 = arith.constant 0.000000e+00 : f32
    %broadcast_in_dim3A_1748 = vector.broadcast %broadcast_in_dim3A_1747 : f32 to vector<32x512xf32>
    %broadcast_in_dim3A_1749 = arith.constant 0 : i32
    %broadcast_in_dim3A_1750 = vector.broadcast %broadcast_in_dim3A_1749 : i32 to vector<32x1xi32>
    %slice3A_1751 = vector.extract_strided_slice %get3A_10 {offsets = [0, 40], sizes = [32, 1], strides = [1, 1]} : vector<32x48xi32> to vector<32x1xi32>
    %sub3A_1752 = arith.constant 1 : i32
    %sub3A_1753 = vector.broadcast %sub3A_1752 : i32 to vector<32x1xi32>
    %sub3A_1754 = arith.subi %slice3A_1751, %sub3A_1753 : vector<32x1xi32>
    %eq3A_1755 = vector.broadcast %sub3A_1754 : vector<32x1xi32> to vector<32x512xi32>
    %eq3A_1756 = arith.cmpi eq, %iota3A_12, %eq3A_1755 : vector<32x512xi32>
    %convert_element_type3A_1757 = arith.extui %eq3A_1756 : vector<32x512xi1> to vector<32x512xi32>
    %convert_element_type3A_1758 = arith.sitofp %convert_element_type3A_1757 : vector<32x512xi32> to vector<32x512xf32>
    %add3A_1759 = arith.addf %broadcast_in_dim3A_1748, %convert_element_type3A_1758 : vector<32x512xf32>
    %add3A_1760 = arith.addi %broadcast_in_dim3A_1750, %slice3A_1751 : vector<32x1xi32>
    %slice3A_1761 = vector.extract_strided_slice %get3A_10 {offsets = [0, 41], sizes = [32, 1], strides = [1, 1]} : vector<32x48xi32> to vector<32x1xi32>
    %sub3A_1762 = arith.constant 1 : i32
    %sub3A_1763 = vector.broadcast %sub3A_1762 : i32 to vector<32x1xi32>
    %sub3A_1764 = arith.subi %slice3A_1761, %sub3A_1763 : vector<32x1xi32>
    %eq3A_1765 = vector.broadcast %sub3A_1764 : vector<32x1xi32> to vector<32x512xi32>
    %eq3A_1766 = arith.cmpi eq, %iota3A_12, %eq3A_1765 : vector<32x512xi32>
    %convert_element_type3A_1767 = arith.extui %eq3A_1766 : vector<32x512xi1> to vector<32x512xi32>
    %convert_element_type3A_1768 = arith.sitofp %convert_element_type3A_1767 : vector<32x512xi32> to vector<32x512xf32>
    %add3A_1769 = arith.addf %add3A_1759, %convert_element_type3A_1768 : vector<32x512xf32>
    %add3A_1770 = arith.addi %add3A_1760, %slice3A_1761 : vector<32x1xi32>
    %slice3A_1771 = vector.extract_strided_slice %get3A_10 {offsets = [0, 42], sizes = [32, 1], strides = [1, 1]} : vector<32x48xi32> to vector<32x1xi32>
    %sub3A_1772 = arith.constant 1 : i32
    %sub3A_1773 = vector.broadcast %sub3A_1772 : i32 to vector<32x1xi32>
    %sub3A_1774 = arith.subi %slice3A_1771, %sub3A_1773 : vector<32x1xi32>
    %eq3A_1775 = vector.broadcast %sub3A_1774 : vector<32x1xi32> to vector<32x512xi32>
    %eq3A_1776 = arith.cmpi eq, %iota3A_12, %eq3A_1775 : vector<32x512xi32>
    %convert_element_type3A_1777 = arith.extui %eq3A_1776 : vector<32x512xi1> to vector<32x512xi32>
    %convert_element_type3A_1778 = arith.sitofp %convert_element_type3A_1777 : vector<32x512xi32> to vector<32x512xf32>
    %add3A_1779 = arith.addf %add3A_1769, %convert_element_type3A_1778 : vector<32x512xf32>
    %add3A_1780 = arith.addi %add3A_1770, %slice3A_1771 : vector<32x1xi32>
    %slice3A_1781 = vector.extract_strided_slice %get3A_10 {offsets = [0, 43], sizes = [32, 1], strides = [1, 1]} : vector<32x48xi32> to vector<32x1xi32>
    %sub3A_1782 = arith.constant 1 : i32
    %sub3A_1783 = vector.broadcast %sub3A_1782 : i32 to vector<32x1xi32>
    %sub3A_1784 = arith.subi %slice3A_1781, %sub3A_1783 : vector<32x1xi32>
    %eq3A_1785 = vector.broadcast %sub3A_1784 : vector<32x1xi32> to vector<32x512xi32>
    %eq3A_1786 = arith.cmpi eq, %iota3A_12, %eq3A_1785 : vector<32x512xi32>
    %convert_element_type3A_1787 = arith.extui %eq3A_1786 : vector<32x512xi1> to vector<32x512xi32>
    %convert_element_type3A_1788 = arith.sitofp %convert_element_type3A_1787 : vector<32x512xi32> to vector<32x512xf32>
    %add3A_1789 = arith.addf %add3A_1779, %convert_element_type3A_1788 : vector<32x512xf32>
    %add3A_1790 = arith.addi %add3A_1780, %slice3A_1781 : vector<32x1xi32>
    %sub3A_1791 = arith.subf %slice3A_1696, %add3A_1789 : vector<32x512xf32>
    %reduce_sum3A_1792 = arith.constant dense<0.000000e+00> : vector<32xf32>
    %reduce_sum3A_1793 = vector.multi_reduction <add>, %sub3A_1791, %reduce_sum3A_1792 [1] : vector<32x512xf32> to vector<32xf32>
    %broadcast_in_dim3A_1794 = vector.shape_cast %reduce_sum3A_1793 : vector<32xf32> to vector<32x1xf32>
    %max3A_1795 = arith.constant 1.000000e+00 : f32
    %max3A_1796 = vector.broadcast %max3A_1795 : f32 to vector<32x1xf32>
    %max3A_1797 = arith.maximumf %broadcast_in_dim3A_1794, %max3A_1796 : vector<32x1xf32>
    %div3A_1798 = vector.broadcast %max3A_1797 : vector<32x1xf32> to vector<32x512xf32>
    %div3A_1799 = arith.divf %sub3A_1791, %div3A_1798 : vector<32x512xf32>
    %gt3A_1800 = arith.constant 0.000000e+00 : f32
    %gt3A_1801 = vector.broadcast %gt3A_1800 : f32 to vector<32x512xf32>
    %gt3A_1802 = arith.cmpf ogt, %add3A_1789, %gt3A_1801 : vector<32x512xf32>
    %convert_element_type3A_1803 = arith.extui %gt3A_1802 : vector<32x512xi1> to vector<32x512xi32>
    %convert_element_type3A_1804 = arith.sitofp %convert_element_type3A_1803 : vector<32x512xi32> to vector<32x512xf32>
    %reduce_sum3A_1805 = arith.constant dense<0.000000e+00> : vector<32xf32>
    %reduce_sum3A_1806 = vector.multi_reduction <add>, %convert_element_type3A_1804, %reduce_sum3A_1805 [1] : vector<32x512xf32> to vector<32xf32>
    %broadcast_in_dim3A_1807 = vector.shape_cast %reduce_sum3A_1806 : vector<32xf32> to vector<32x1xf32>
    %sub3A_1808 = arith.constant 4.000000e+00 : f32
    %sub3A_1809 = vector.broadcast %sub3A_1808 : f32 to vector<32x1xf32>
    %sub3A_1810 = arith.subf %sub3A_1809, %broadcast_in_dim3A_1807 : vector<32x1xf32>
    %ne3A_1811 = arith.constant 0 : i32
    %ne3A_1812 = vector.broadcast %ne3A_1811 : i32 to vector<32x1xi32>
    %ne3A_1813 = arith.cmpi ne, %add3A_1790, %ne3A_1812 : vector<32x1xi32>
    %and3A_1814 = arith.andi %slice3A_1688, %ne3A_1813 : vector<32x1xi1>
    %mul3A_1815 = vector.broadcast %sub3A_1810 : vector<32x1xf32> to vector<32x512xf32>
    %mul3A_1816 = arith.mulf %mul3A_1815, %div3A_1799 : vector<32x512xf32>
    %add3A_1817 = arith.addf %add3A_1789, %mul3A_1816 : vector<32x512xf32>
    %mul3A_1818 = arith.constant 4.000000e+00 : f32
    %mul3A_1819 = vector.broadcast %mul3A_1818 : f32 to vector<32x512xf32>
    %mul3A_1820 = arith.mulf %mul3A_1819, %div3A_1799 : vector<32x512xf32>
    %broadcast_in_dim3A_1821 = vector.shape_cast %and3A_1814 : vector<32x1xi1> to vector<32x1xi1>
    %broadcast_in_dim3A_1822 = vector.broadcast %broadcast_in_dim3A_1821 : vector<32x1xi1> to vector<32x512xi1>
    %select_n3A_1823 = arith.select %broadcast_in_dim3A_1822, %add3A_1817, %mul3A_1820 : vector<32x512xi1>, vector<32x512xf32>
    %swap3A_1824 = arith.constant 0 : index
    %swap3A_1825 = arith.constant 5120 : index
    %swap3A_1826 = vector.load %arg9[%swap3A_1824, %swap3A_1825] : memref<32x6144xf32, #tpu.memory_space<vmem>>, vector<32x512xf32>
    tpu.vector_store %arg9[%swap3A_1824, %swap3A_1825], %select_n3A_1823 {strides = array<i32>} : memref<32x6144xf32, #tpu.memory_space<vmem>>, vector<32x512xf32>,
    %slice3A_1827 = vector.extract_strided_slice %dot_general3A_289 {offsets = [352, 0], sizes = [32, 768], strides = [1, 1]} : vector<384x768xf32> to vector<32x768xf32>
    %slice3A_1828 = vector.extract_strided_slice %gt3A_118 {offsets = [0, 11], sizes = [32, 1], strides = [1, 1]} : vector<32x12xi1> to vector<32x1xi1>
    %jit3A_1829 = arith.constant 1.000000e+00 : f32
    %broadcast_in_dim3A_1830 = vector.broadcast %jit3A_1829 : f32 to vector<32x1xf32>
    %select_n3A_1831 = arith.select %slice3A_1828, %broadcast_in_dim3A_1830, %div3A_129 : vector<32x1xi1>, vector<32x1xf32>
    %mul3A_1832 = vector.broadcast %select_n3A_1831 : vector<32x1xf32> to vector<32x768xf32>
    %mul3A_1833 = arith.mulf %slice3A_1827, %mul3A_1832 : vector<32x768xf32>
    %slice3A_1834 = vector.extract_strided_slice %mul3A_1833 {offsets = [0, 0], sizes = [32, 128], strides = [1, 1]} : vector<32x768xf32> to vector<32x128xf32>
    %slice3A_1835 = vector.extract_strided_slice %mul3A_1833 {offsets = [0, 128], sizes = [32, 128], strides = [1, 1]} : vector<32x768xf32> to vector<32x128xf32>
    %slice3A_1836 = vector.extract_strided_slice %mul3A_1833 {offsets = [0, 256], sizes = [32, 512], strides = [1, 1]} : vector<32x768xf32> to vector<32x512xf32>
    %slice3A_1837 = vector.extract_strided_slice %get3A_4 {offsets = [0, 11], sizes = [32, 1], strides = [1, 1]} : vector<32x12xi32> to vector<32x1xi32>
    %gt3A_1838 = arith.constant 0 : i32
    %gt3A_1839 = vector.broadcast %gt3A_1838 : i32 to vector<32x1xi32>
    %gt3A_1840 = arith.cmpi sgt, %slice3A_1837, %gt3A_1839 : vector<32x1xi32>
    %sub3A_1841 = arith.constant 1 : i32
    %sub3A_1842 = vector.broadcast %sub3A_1841 : i32 to vector<32x1xi32>
    %sub3A_1843 = arith.subi %slice3A_1837, %sub3A_1842 : vector<32x1xi32>
    %eq3A_1844 = vector.broadcast %sub3A_1843 : vector<32x1xi32> to vector<32x128xi32>
    %eq3A_1845 = arith.cmpi eq, %iota3A_11, %eq3A_1844 : vector<32x128xi32>
    %convert_element_type3A_1846 = arith.extui %eq3A_1845 : vector<32x128xi1> to vector<32x128xi32>
    %convert_element_type3A_1847 = arith.sitofp %convert_element_type3A_1846 : vector<32x128xi32> to vector<32x128xf32>
    %reduce_sum3A_1848 = arith.constant dense<0.000000e+00> : vector<32xf32>
    %reduce_sum3A_1849 = vector.multi_reduction <add>, %slice3A_1834, %reduce_sum3A_1848 [1] : vector<32x128xf32> to vector<32xf32>
    %broadcast_in_dim3A_1850 = vector.shape_cast %reduce_sum3A_1849 : vector<32xf32> to vector<32x1xf32>
    %max3A_1851 = arith.constant 1.000000e+00 : f32
    %max3A_1852 = vector.broadcast %max3A_1851 : f32 to vector<32x1xf32>
    %max3A_1853 = arith.maximumf %broadcast_in_dim3A_1850, %max3A_1852 : vector<32x1xf32>
    %div3A_1854 = vector.broadcast %max3A_1853 : vector<32x1xf32> to vector<32x128xf32>
    %div3A_1855 = arith.divf %slice3A_1834, %div3A_1854 : vector<32x128xf32>
    %broadcast_in_dim3A_1856 = vector.shape_cast %gt3A_1840 : vector<32x1xi1> to vector<32x1xi1>
    %broadcast_in_dim3A_1857 = vector.broadcast %broadcast_in_dim3A_1856 : vector<32x1xi1> to vector<32x128xi1>
    %select_n3A_1858 = arith.select %broadcast_in_dim3A_1857, %convert_element_type3A_1847, %div3A_1855 : vector<32x128xi1>, vector<32x128xf32>
    %swap3A_1859 = arith.constant 0 : index
    %swap3A_1860 = arith.constant 1408 : index
    %swap3A_1861 = vector.load %arg7[%swap3A_1859, %swap3A_1860] : memref<32x1536xf32, #tpu.memory_space<vmem>>, vector<32x128xf32>
    tpu.vector_store %arg7[%swap3A_1859, %swap3A_1860], %select_n3A_1858 {strides = array<i32>} : memref<32x1536xf32, #tpu.memory_space<vmem>>, vector<32x128xf32>,
    %slice3A_1862 = vector.extract_strided_slice %get3A_7 {offsets = [0, 11], sizes = [32, 1], strides = [1, 1]} : vector<32x12xi32> to vector<32x1xi32>
    %sub3A_1863 = arith.constant 1 : i32
    %sub3A_1864 = vector.broadcast %sub3A_1863 : i32 to vector<32x1xi32>
    %sub3A_1865 = arith.subi %slice3A_1862, %sub3A_1864 : vector<32x1xi32>
    %max3A_1866 = arith.constant 0 : i32
    %max3A_1867 = vector.broadcast %max3A_1866 : i32 to vector<32x1xi32>
    %max3A_1868 = arith.maxsi %sub3A_1865, %max3A_1867 : vector<32x1xi32>
    %eq3A_1869 = vector.broadcast %max3A_1868 : vector<32x1xi32> to vector<32x128xi32>
    %eq3A_1870 = arith.cmpi eq, %iota3A_11, %eq3A_1869 : vector<32x128xi32>
    %convert_element_type3A_1871 = arith.extui %eq3A_1870 : vector<32x128xi1> to vector<32x128xi32>
    %convert_element_type3A_1872 = arith.sitofp %convert_element_type3A_1871 : vector<32x128xi32> to vector<32x128xf32>
    %reduce_sum3A_1873 = arith.constant dense<0.000000e+00> : vector<32xf32>
    %reduce_sum3A_1874 = vector.multi_reduction <add>, %slice3A_1835, %reduce_sum3A_1873 [1] : vector<32x128xf32> to vector<32xf32>
    %broadcast_in_dim3A_1875 = vector.shape_cast %reduce_sum3A_1874 : vector<32xf32> to vector<32x1xf32>
    %max3A_1876 = arith.constant 1.000000e+00 : f32
    %max3A_1877 = vector.broadcast %max3A_1876 : f32 to vector<32x1xf32>
    %max3A_1878 = arith.maximumf %broadcast_in_dim3A_1875, %max3A_1877 : vector<32x1xf32>
    %div3A_1879 = vector.broadcast %max3A_1878 : vector<32x1xf32> to vector<32x128xf32>
    %div3A_1880 = arith.divf %slice3A_1835, %div3A_1879 : vector<32x128xf32>
    %broadcast_in_dim3A_1881 = vector.shape_cast %gt3A_1840 : vector<32x1xi1> to vector<32x1xi1>
    %broadcast_in_dim3A_1882 = vector.broadcast %broadcast_in_dim3A_1881 : vector<32x1xi1> to vector<32x128xi1>
    %select_n3A_1883 = arith.select %broadcast_in_dim3A_1882, %convert_element_type3A_1872, %div3A_1880 : vector<32x128xi1>, vector<32x128xf32>
    %swap3A_1884 = arith.constant 0 : index
    %swap3A_1885 = arith.constant 1408 : index
    %swap3A_1886 = vector.load %arg8[%swap3A_1884, %swap3A_1885] : memref<32x1536xf32, #tpu.memory_space<vmem>>, vector<32x128xf32>
    tpu.vector_store %arg8[%swap3A_1884, %swap3A_1885], %select_n3A_1883 {strides = array<i32>} : memref<32x1536xf32, #tpu.memory_space<vmem>>, vector<32x128xf32>,
    %broadcast_in_dim3A_1887 = arith.constant 0.000000e+00 : f32
    %broadcast_in_dim3A_1888 = vector.broadcast %broadcast_in_dim3A_1887 : f32 to vector<32x512xf32>
    %broadcast_in_dim3A_1889 = arith.constant 0 : i32
    %broadcast_in_dim3A_1890 = vector.broadcast %broadcast_in_dim3A_1889 : i32 to vector<32x1xi32>
    %slice3A_1891 = vector.extract_strided_slice %get3A_10 {offsets = [0, 44], sizes = [32, 1], strides = [1, 1]} : vector<32x48xi32> to vector<32x1xi32>
    %sub3A_1892 = arith.constant 1 : i32
    %sub3A_1893 = vector.broadcast %sub3A_1892 : i32 to vector<32x1xi32>
    %sub3A_1894 = arith.subi %slice3A_1891, %sub3A_1893 : vector<32x1xi32>
    %eq3A_1895 = vector.broadcast %sub3A_1894 : vector<32x1xi32> to vector<32x512xi32>
    %eq3A_1896 = arith.cmpi eq, %iota3A_12, %eq3A_1895 : vector<32x512xi32>
    %convert_element_type3A_1897 = arith.extui %eq3A_1896 : vector<32x512xi1> to vector<32x512xi32>
    %convert_element_type3A_1898 = arith.sitofp %convert_element_type3A_1897 : vector<32x512xi32> to vector<32x512xf32>
    %add3A_1899 = arith.addf %broadcast_in_dim3A_1888, %convert_element_type3A_1898 : vector<32x512xf32>
    %add3A_1900 = arith.addi %broadcast_in_dim3A_1890, %slice3A_1891 : vector<32x1xi32>
    %slice3A_1901 = vector.extract_strided_slice %get3A_10 {offsets = [0, 45], sizes = [32, 1], strides = [1, 1]} : vector<32x48xi32> to vector<32x1xi32>
    %sub3A_1902 = arith.constant 1 : i32
    %sub3A_1903 = vector.broadcast %sub3A_1902 : i32 to vector<32x1xi32>
    %sub3A_1904 = arith.subi %slice3A_1901, %sub3A_1903 : vector<32x1xi32>
    %eq3A_1905 = vector.broadcast %sub3A_1904 : vector<32x1xi32> to vector<32x512xi32>
    %eq3A_1906 = arith.cmpi eq, %iota3A_12, %eq3A_1905 : vector<32x512xi32>
    %convert_element_type3A_1907 = arith.extui %eq3A_1906 : vector<32x512xi1> to vector<32x512xi32>
    %convert_element_type3A_1908 = arith.sitofp %convert_element_type3A_1907 : vector<32x512xi32> to vector<32x512xf32>
    %add3A_1909 = arith.addf %add3A_1899, %convert_element_type3A_1908 : vector<32x512xf32>
    %add3A_1910 = arith.addi %add3A_1900, %slice3A_1901 : vector<32x1xi32>
    %slice3A_1911 = vector.extract_strided_slice %get3A_10 {offsets = [0, 46], sizes = [32, 1], strides = [1, 1]} : vector<32x48xi32> to vector<32x1xi32>
    %sub3A_1912 = arith.constant 1 : i32
    %sub3A_1913 = vector.broadcast %sub3A_1912 : i32 to vector<32x1xi32>
    %sub3A_1914 = arith.subi %slice3A_1911, %sub3A_1913 : vector<32x1xi32>
    %eq3A_1915 = vector.broadcast %sub3A_1914 : vector<32x1xi32> to vector<32x512xi32>
    %eq3A_1916 = arith.cmpi eq, %iota3A_12, %eq3A_1915 : vector<32x512xi32>
    %convert_element_type3A_1917 = arith.extui %eq3A_1916 : vector<32x512xi1> to vector<32x512xi32>
    %convert_element_type3A_1918 = arith.sitofp %convert_element_type3A_1917 : vector<32x512xi32> to vector<32x512xf32>
    %add3A_1919 = arith.addf %add3A_1909, %convert_element_type3A_1918 : vector<32x512xf32>
    %add3A_1920 = arith.addi %add3A_1910, %slice3A_1911 : vector<32x1xi32>
    %slice3A_1921 = vector.extract_strided_slice %get3A_10 {offsets = [0, 47], sizes = [32, 1], strides = [1, 1]} : vector<32x48xi32> to vector<32x1xi32>
    %sub3A_1922 = arith.constant 1 : i32
    %sub3A_1923 = vector.broadcast %sub3A_1922 : i32 to vector<32x1xi32>
    %sub3A_1924 = arith.subi %slice3A_1921, %sub3A_1923 : vector<32x1xi32>
    %eq3A_1925 = vector.broadcast %sub3A_1924 : vector<32x1xi32> to vector<32x512xi32>
    %eq3A_1926 = arith.cmpi eq, %iota3A_12, %eq3A_1925 : vector<32x512xi32>
    %convert_element_type3A_1927 = arith.extui %eq3A_1926 : vector<32x512xi1> to vector<32x512xi32>
    %convert_element_type3A_1928 = arith.sitofp %convert_element_type3A_1927 : vector<32x512xi32> to vector<32x512xf32>
    %add3A_1929 = arith.addf %add3A_1919, %convert_element_type3A_1928 : vector<32x512xf32>
    %add3A_1930 = arith.addi %add3A_1920, %slice3A_1921 : vector<32x1xi32>
    %sub3A_1931 = arith.subf %slice3A_1836, %add3A_1929 : vector<32x512xf32>
    %reduce_sum3A_1932 = arith.constant dense<0.000000e+00> : vector<32xf32>
    %reduce_sum3A_1933 = vector.multi_reduction <add>, %sub3A_1931, %reduce_sum3A_1932 [1] : vector<32x512xf32> to vector<32xf32>
    %broadcast_in_dim3A_1934 = vector.shape_cast %reduce_sum3A_1933 : vector<32xf32> to vector<32x1xf32>
    %max3A_1935 = arith.constant 1.000000e+00 : f32
    %max3A_1936 = vector.broadcast %max3A_1935 : f32 to vector<32x1xf32>
    %max3A_1937 = arith.maximumf %broadcast_in_dim3A_1934, %max3A_1936 : vector<32x1xf32>
    %div3A_1938 = vector.broadcast %max3A_1937 : vector<32x1xf32> to vector<32x512xf32>
    %div3A_1939 = arith.divf %sub3A_1931, %div3A_1938 : vector<32x512xf32>
    %gt3A_1940 = arith.constant 0.000000e+00 : f32
    %gt3A_1941 = vector.broadcast %gt3A_1940 : f32 to vector<32x512xf32>
    %gt3A_1942 = arith.cmpf ogt, %add3A_1929, %gt3A_1941 : vector<32x512xf32>
    %convert_element_type3A_1943 = arith.extui %gt3A_1942 : vector<32x512xi1> to vector<32x512xi32>
    %convert_element_type3A_1944 = arith.sitofp %convert_element_type3A_1943 : vector<32x512xi32> to vector<32x512xf32>
    %reduce_sum3A_1945 = arith.constant dense<0.000000e+00> : vector<32xf32>
    %reduce_sum3A_1946 = vector.multi_reduction <add>, %convert_element_type3A_1944, %reduce_sum3A_1945 [1] : vector<32x512xf32> to vector<32xf32>
    %broadcast_in_dim3A_1947 = vector.shape_cast %reduce_sum3A_1946 : vector<32xf32> to vector<32x1xf32>
    %sub3A_1948 = arith.constant 4.000000e+00 : f32
    %sub3A_1949 = vector.broadcast %sub3A_1948 : f32 to vector<32x1xf32>
    %sub3A_1950 = arith.subf %sub3A_1949, %broadcast_in_dim3A_1947 : vector<32x1xf32>
    %ne3A_1951 = arith.constant 0 : i32
    %ne3A_1952 = vector.broadcast %ne3A_1951 : i32 to vector<32x1xi32>
    %ne3A_1953 = arith.cmpi ne, %add3A_1930, %ne3A_1952 : vector<32x1xi32>
    %and3A_1954 = arith.andi %slice3A_1828, %ne3A_1953 : vector<32x1xi1>
    %mul3A_1955 = vector.broadcast %sub3A_1950 : vector<32x1xf32> to vector<32x512xf32>
    %mul3A_1956 = arith.mulf %mul3A_1955, %div3A_1939 : vector<32x512xf32>
    %add3A_1957 = arith.addf %add3A_1929, %mul3A_1956 : vector<32x512xf32>
    %mul3A_1958 = arith.constant 4.000000e+00 : f32
    %mul3A_1959 = vector.broadcast %mul3A_1958 : f32 to vector<32x512xf32>
    %mul3A_1960 = arith.mulf %mul3A_1959, %div3A_1939 : vector<32x512xf32>
    %broadcast_in_dim3A_1961 = vector.shape_cast %and3A_1954 : vector<32x1xi1> to vector<32x1xi1>
    %broadcast_in_dim3A_1962 = vector.broadcast %broadcast_in_dim3A_1961 : vector<32x1xi1> to vector<32x512xi1>
    %select_n3A_1963 = arith.select %broadcast_in_dim3A_1962, %add3A_1957, %mul3A_1960 : vector<32x512xi1>, vector<32x512xf32>
    %swap3A_1964 = arith.constant 0 : index
    %swap3A_1965 = arith.constant 5632 : index
    %swap3A_1966 = vector.load %arg9[%swap3A_1964, %swap3A_1965] : memref<32x6144xf32, #tpu.memory_space<vmem>>, vector<32x512xf32>
    tpu.vector_store %arg9[%swap3A_1964, %swap3A_1965], %select_n3A_1963 {strides = array<i32>} : memref<32x6144xf32, #tpu.memory_space<vmem>>, vector<32x512xf32>,
    return
  }
  func.func @transform_0(%arg0: i32) -> (i32, i32) {
    %c0_i32 = arith.constant 0 : i32
    %c0_i32_0 = arith.constant 0 : i32
    return %arg0, %c0_i32 : i32, i32
  }
  func.func @transform_1(%arg0: i32) -> (i32, i32) {
    %c0_i32 = arith.constant 0 : i32
    %c0_i32_0 = arith.constant 0 : i32
    return %arg0, %c0_i32 : i32, i32
  }
  func.func @transform_2(%arg0: i32) -> (i32, i32) {
    %c0_i32 = arith.constant 0 : i32
    %c0_i32_0 = arith.constant 0 : i32
    return %arg0, %c0_i32 : i32, i32
  }
  func.func @transform_3(%arg0: i32) -> (i32, i32) {
    %c0_i32 = arith.constant 0 : i32
    %c0_i32_0 = arith.constant 0 : i32
    return %arg0, %c0_i32 : i32, i32
  }
  func.func @transform_4(%arg0: i32) -> (i32, i32) {
    %c0_i32 = arith.constant 0 : i32
    %c0_i32_0 = arith.constant 0 : i32
    %c0_i32_1 = arith.constant 0 : i32
    return %c0_i32, %c0_i32_0 : i32, i32
  }
  func.func @transform_5(%arg0: i32) -> (i32, i32) {
    %c0_i32 = arith.constant 0 : i32
    %c0_i32_0 = arith.constant 0 : i32
    return %arg0, %c0_i32 : i32, i32
  }
  func.func @transform_6(%arg0: i32) -> (i32, i32) {
    %c0_i32 = arith.constant 0 : i32
    %c0_i32_0 = arith.constant 0 : i32
    return %arg0, %c0_i32 : i32, i32
  }
  func.func @transform_7(%arg0: i32) -> (i32, i32) {
    %c0_i32 = arith.constant 0 : i32
    %c0_i32_0 = arith.constant 0 : i32
    return %arg0, %c0_i32 : i32, i32
  }
  func.func @transform_8(%arg0: i32) -> (i32, i32) {
    %c0_i32 = arith.constant 0 : i32
    %c0_i32_0 = arith.constant 0 : i32
    return %arg0, %c0_i32 : i32, i32
  }
}

</mosaic_0001>

<sc_bundles>
// kernel: sparse-core-data-format-call.cloned.1.call-start
scs
called_computation_lowered:
.L_overlay_start_0:
0x0: {  	s2 =	sld [smem:$0x3FD9]  }
0x1: {  	s3 =	sld [smem:$0x3FFE];
	_ =	sdelay $0x1  }
0x2: {  	s1 =	srdreg.scid  }
0x3: {  	s0 =	sand.u32 $0x1, s1  }
0x4: {  	s15 =	sshll.u32 s0, $0xA;
	s2 =	sadd.s32 s3, s2  }
0x5: {  	s2 =	sadd.s32 s2, s15  }
0x6: {  	[smem:$0x3FC1] =	sst s2  }
0x7: {  	_ = 	snop  }
0x8: {  	s2 =	sld [smem:$0x3FD0];
	_ =	sdelay $0x2  }
0x9: {  	s16 =	simm.s32 $0xA;
	s4 =	simm.s32 $0x10  }
0xa: {  	[smem:s4], [sflag:s16] =	dma.local [hbm:s2], $0x1  }
0xb: {  	_ =	swait.eq [sflag:s16], $0x1  }
0xc: {  	[sflag:s16] =	ssyncset.done $0x0  }
0xd: {  	[sflag:s16] =	ssyncadd.s32 $0xFFFFFFFF  }
0xe: {  	s17 =	sld [smem:$0x10];
	(tm) =	ssettm $0x1  }
0xf: {  	s18 =	sld [smem:$0x3FFB];
	_ =	sdelay $0x3  }
0x10: {  	_ =	strace s18  }
0x11: {  	s3 =	sld [smem:$0x3FFC];
	_ =	sdelay $0x3  }
0x12: {  	_ =	strace s3  }
0x13: {  	s3 =	sld [smem:$0x3FFD];
	_ =	sdelay $0x3  }
0x14: {  	_ =	strace s3  }
0x15: {  	_ =	strace $0x8FFFFFFF  }
0x16: {  	s19 =	sld [smem:$0x3FDB];
	_ =	sdelay $0x1  }
0x17: {  	s20 =	simm.s32 $_scs_section_size  }
0x18: {  	s5 =	simm.s32 $_size__tile_overlayer_lowered;
	s6 =	simm.s32 $_tile_overlayer_lowered  }
0x19: {  	s23 =	simm.s32 $0x1BFF;
	s22 =	sshll.u32 s6, $0x1;
	s3 =	sadd.s32 s20, s19  }
0x1a: {  	s7 =	simm.s32 $0x0;
	s21 =	sshll.u32 s5, $0x1;
	s5 =	sadd.s32 s22, s3  }
0x1b: {  	[timem:s7], [sflag:s23] =	dma.local [hbm:s5], s21  }
0x1c: {  	_ =	swait.ge [sflag:s23], s21  }
0x1d: {  	s4 =	ssub.s32 $0x0, s21;
	[sflag:s23] =	ssyncset.done $0x0  }
0x1e: {  	[sflag:s23] =	ssyncadd.s32 s4;
	_ =	sdelay $0x1  }
0x1f: {  	s24 =	simm.s32 $0x1B8B  }
0x20: {  	_ =	swait.ge [sflag:s24], $0x1  }
0x21: {  	[sflag:s24] =	ssyncset.done $0x0  }
0x22: {  	s26 =	simm.s32 $0x1B8E;
	s25 =	sld [smem:$0x3FFE];
	[sflag:s24] =	ssyncadd.s32 $0xFFFFFFFF  }
0x23: {  	s27 =	simm.s32 $execute0_lowered;
	[smem:$0x3FD2] =	sst s26  }
0x24: {  	s5 =	sshll.u32 s27, $0x1;
	_ =	strace $0x80000046;
	[dreg:$0x1] =	wrdreg $0xFFFFFFFF  }
0x25: {  	s28 =	simm.s32 $_size_execute0_lowered;
	s3 =	sadd.s32 s3, s5;
	[dreg:$0x0] =	wrdreg $0x0  }
0x26: {  	s5 =	sshll.u32 s28, $0x1;
	[dreg:$0x2] =	wrdreg s3  }
0x27: {  	[dreg:$0x3] =	wrdreg s5  }
0x28: {  	[dreg:$0x4] =	wrdreg $0xC0  }
0x29: {  	_ =	task [dreg:s7], $0x5FFFF  }
0x2a: {  	[dreg:$0x1] =	wrdreg $0xFFFFFFFF  }
0x2b: {  	[dreg:$0x0] =	wrdreg $0x60  }
0x2c: {  	[dreg:$0x2] =	wrdreg s25  }
0x2d: {  	[dreg:$0x3] =	wrdreg s17  }
0x2e: {  	[dreg:$0x4] =	wrdreg $0x9  }
0x2f: {  	_ =	task.clear_ibuf [dreg:s7], $0x5FFFF;
	_ =	strace $0x90000046  }
0x30: {  	s29 =	simm.s32 $0x9;
	_ =	strace $0x80000048  }
0x31: {  	_ =	swait.ge [sflag:s29], $0x1  }
0x32: {  	[sflag:s29] =	ssyncadd.s32 $0xFFFFFFFF  }
0x33: {  	_ =	strace $0x90000048  }
0x34: {  	_ =	sfence  }
0x35: {  	s30 =	sld [smem:$0x0];
	_ =	sdelay $0x2  }
0x36: {  	s31 =	sshll.u32 s1, $0xD;
	s1 =	sshrl.u32 s1, $0x2  }
0x37: {  	s3 =	sand.u32 $0x4000, s31;
	s1 =	sadd.s32 s1, s30  }
0x38: {  	s0 =	sor.u32 s3, s0;
	s1 =	sshll.u32 s1, $0x11  }
0x39: {  	s0 =	sor.u32 s1, s0  }
0x3a: {  	s0 =	sadd.s32 $0x8F2B, s0  }
0x3b: {  	[sflag:s0] =	ssyncadd.remote.s32 $0x1  }
0x3c: {  	_ =	sfence.sel $0xFFFF  }
0x3d: {  	[dreg:$0x0] =	wrdreg $0xFFFFFFFF;
	(pc) =	sbr.abs _section_cstart, $3  }
0x3e: {  	[dreg:$0x1] =	wrdreg $0xFFFFFFFF  }
0x3f: {  	_ =	task.clear_ibuf [dreg:s7], $0x2FFFF;
	_ =	strace $0x9FFFFFFF  }
0x40: {  	(tm) =	ssettm $0x7FFFFFFF  }
0x41: {  	_ =	shalt  }
tec
execute0_lowered:
.L_overlay_start_1:
0x0: {  	(tag) =	ssettag $0x1  }
0x1: {  	s0 =	stileid.u32;
	s1 =	srdreg.scid  }
0x2: {  	s2 =	sshll.u32 s0, $0x7;
	s3 =	sshll.u32 s0, $0x4;
	s4 =	sshll.u32 s1, $0x8  }
0x3: {  	s7 =	rddreg [dreg:$0x0];
	s1 =	sand.u32 $0x380, s2;
	s29 =	sor.u32 s3, s4  }
0x4: {  	s8 =	simm.s32 $0x2;
	s2 =	sand.u32 $0x180, s29;
	s30 =	ssub.s32 $0x400, s1  }
0x5: {  	s16 =	simm.s32 $0x0;
	s31 =	sand.u32 $0x380, s30;
	s5 =	ssub.s32 $0x400, s2  }
0x6: {  	s4 =	simm.s32 $0x1;
	p0 =	sne.s32 s31, $0x0;
	s6 =	sand.u32 $0x180, s5  }
0x7: {  	s4 =	simm.s32 @!p0 $0x0;
	p0 =	sne.s32 s6, $0x0;
	s6 =	simm.s32 $0x1  }
0x8: {  	s3 =	sshrl.u32 s30, $0xA;
	s5 =	sshrl.u32 s5, $0x9;
	s6 =	simm.s32 @!p0 $0x0  }
0x9: {  	s9 =	simm.s32 $0x2000;
	s3 =	sadd.s32 s4, s3;
	s5 =	sadd.s32 s6, s5  }
0xa: {  	s14 =	simm.s32 $0x0;
	s15 =	simm.s32 $0x0;
	s6 =	smul.u32 s5, s3  }
.Ltmp0:
0xb: {  	s12 =	simm.s32 $0x0;
	s4 =	rddreg [dreg:$0x1];
	(pc) =	sbr.rel .LBB1_1-.Ltmp0, $4  }
0xc: {  	s13 =	simm.s32 $0x0;
	s7 =	sadd.s32 $0x600, s7;
	s3 =	rddreg [dreg:$0x2]  }
0xd: {  	_ =	strace $0x80000047;
	s5 =	simm.s32 $0x1;
	s6 =	smul.u32 $0xC, s6  }
0xe: {  	s11 =	smov.u32 s1;
	s10 =	smov.u32 s2;
	[sflag:s5] =	ssyncpa.u1 $0x0  }
0xf: {  	p0 =	por $0x0, $0x0;
	[sflag:s8] =	ssyncpa.u1 $0x0;
	s8 =	sor.u32 $0x1, s6  }
.LBB1_4:
0x10: {  	v5 =	vld [tilespmem:s20+$0xFFFFFFD0];
	[tilespmem:s19+$0x2040 ss:$0x81] =	vst.msk $0xffff, v1  }
0x11: {  	v58 =	vld [tilespmem:s20+$0xFFFFFFE0];
	[tilespmem:s19+$0x2850 ss:$0x81] =	vst.msk $0xffff, v2  }
0x12: {  	s21 =	sshra.s32 s21, $0x2;
	v59 =	vld [tilespmem:s20+$0xFFFFFFF0];
	[tilespmem:s19+$0x3060 ss:$0x81] =	vst.msk $0xffff, v3  }
0x13: {  	v60 =	vld [tilespmem:s20+$0x0];
	[tilespmem:s19+$0x0 ss:$0x81] =	vst.msk $0xffff, v0;
	s18 =	sadd.s32 s21, s18  }
0x14: {  	v61 =	vld [tilespmem:s20+$0x10];
	[tilespmem:s18+$0x3870 ss:$0x81] =	vst.msk $0xffff, v4  }
0x15: {  	v62 =	vld [tilespmem:s20+$0x20];
	s26 =	sshll.u32 s16, $0xA;
	s27 =	sshll.u32 s14, $0x3;
	[tilespmem:s18+$0x810 ss:$0x81] =	vst.msk $0xffff, v5  }
0x16: {  	v63 =	vld [tilespmem:s20+$0xFFFFFFC0];
	s29 =	sshll.u32 s16, $0x7;
	s30 =	sand.u32 $0x78, s14;
	s15 =	sshll.u32 s15, $0x11;
	[tilespmem:s18+$0x1020 ss:$0x81] =	vst.msk $0xffff, v58  }
0x17: {  	s19 =	sand.u32 $0xFE000, s26;
	s28 =	sand.u32 $0xFFC00, s27;
	s16 =	sand.u32 $0x380, s29;
	[tilespmem:s18+$0x1830 ss:$0x81] =	vst.msk $0xffff, v59  }
0x18: {  	s31 =	sand.u32 $0x7, s14;
	s19 =	sadd.s32 s28, s19;
	s16 =	sor.u32 s30, s16;
	[tilespmem:s18+$0x2040 ss:$0x81] =	vst.msk $0xffff, v60  }
0x19: {  	s15 =	sadd.s32 s4, s15;
	s19 =	sshrl.u32 s19, $0x3;
	s16 =	sshrl.u32 s16, $0x3;
	[tilespmem:s18+$0x2850 ss:$0x81] =	vst.msk $0xffff, v61  }
0x1a: {  	s14 =	sshll.u32 s31, $0x12;
	s19 =	sand.u32 $0x1FF80, s19;
	s15 =	sadd.s32 s16, s15;
	[tilespmem:s18+$0x3060 ss:$0x81] =	vst.msk $0xffff, v62  }
0x1b: {  	s14 =	sor.u32 $0x400, s14;
	[tilespmem:s18+$0x0 ss:$0x81] =	vst.msk $0xffff, v63;
	s15 =	sadd.s32 s19, s15  }
0x1c: {  	[hbm4b:s15+s14] =	stream.strided.scatter [tilespmem:s17], [sflag:$0x2], $0x4000, s9, s14, $0x20;
	[tilespmem:$0x10100] =	vst v63  }
.LBB1_5:
0x1d: {  	s17 =	sadd.s32 $0x200, s10  }
0x1e: {  	s14 =	sadd.s32 $0x400, s11;
	s18 =	smov.u32 s11;
	p2 =	sgt.s32 s17, $0x3FF  }
0x1f: {  	s18 =	smov.u32 @p2 s14  }
0x20: {  	s14 =	simm.s32 $0x1;
	p3 =	sgt.s32 s18, $0x3FF  }
0x21: {  	s14 =	simm.s32 @!p3 $0x0  }
0x22: {  	s20 =	sadd.s32 s14, s12  }
0x23: {  	s17 =	smov.u32 @p2 s2;
	p2 =	sgt.s32 s20, $0xB  }
0x24: {  	p1 =	slt.u32 s13, $0x2;
	s20 =	simm.s32 @p2 $0x0;
	p2 =	sne.s32 s13, s8  }
.Ltmp1:
0x25: {  	s19 =	simm.s32 @!p1 $0x2;
	(pc) =	sbr.rel @!p2 .LBB1_6-.Ltmp1, $4  }
0x26: {  	s16 =	smov.u32 s10;
	s15 =	smov.u32 s12;
	_ =	swait.ge @!p1 [sflag:s19], $0x4000  }
0x27: {  	p0 =	por !p0, !p0;
	[sflag:s19] =	ssyncset.done @!p1 $0x0;
	s10 =	smov.u32 s17  }
0x28: {  	s18 =	smov.u32 @p3 s1;
	[sflag:s19] =	ssyncadd.s32 @!p1 $0xFFFFC000;
	s14 =	smov.u32 s11  }
0x29: {  	s11 =	smov.u32 s18;
	s13 =	sadd.s32 $0x1, s13;
	s12 =	smov.u32 s20  }
.LBB1_1:
0x2a: {  	p1 =	sge.u32 s13, s6  }
0x2b: {  	s31 =	sadd.s32 $0xFFFFFFFF, s13;
	s17 =	sshll.u32 @!p1 s11, $0x7  }
0x2c: {  	s18 =	sxor.u32 @!p1 $0xFFFFFFFF, s13;
	s19 =	sand.u32 @!p1 $0x78, s10;
	s20 =	sand.u32 @!p1 $0x380, s17  }
0x2d: {  	s18 =	sshll.u32 @!p1 s18, $0xE;
	s19 =	sor.u32 @!p1 s19, s20;
	s20 =	sshll.u32 @!p1 s12, $0x11  }
0x2e: {  	s17 =	sand.u32 @!p1 $0x1FC00, s17;
	s19 =	sshrl.u32 @!p1 s19, $0x3;
	s20 =	sadd.s32 @!p1 s7, s20  }
0x2f: {  	s17 =	sadd.s32 @!p1 s10, s17;
	s19 =	sadd.s32 @!p1 s19, s20;
	s20 =	sand.u32 @!p1 $0x7, s10  }
0x30: {  	s18 =	sand.u32 @!p1 $0x4000, s18;
	s17 =	sand.u32 @!p1 $0x1FF80, s17;
	s20 =	sshll.u32 @!p1 s20, $0x12  }
0x31: {  	s17 =	sadd.s32 @!p1 s17, s19;
	s19 =	sor.u32 @!p1 $0x400, s20;
	s20 =	simm.s32 @!p1 $0x2000  }
0x32: {  	[tilespmem:s18], [sflag:$0x1] =	stream.strided.gather @!p1 [hbm4b:s17+s19], $0x4000, s20, s19, $0x38;
	[tilespmem:$0x10100] =	vst v63  }
0x33: {  	p1 =	sge.u32 s31, s6  }
.Ltmp2:
0x34: {  	_ = 	snop;
	(pc) =	sbr.rel @p1 .LBB1_5-.Ltmp2, $1  }
0x35: {  	_ =	sdelay $0x3  }
0x36: {  	s17 =	simm.s32 $0x1  }
0x37: {  	_ =	swait.ge [sflag:s5], $0x4000;
	s17 =	simm.s32 @!p0 $0x0  }
0x38: {  	[sflag:s5] =	ssyncset.done $0x0;
	s18 =	sshll.u32 s17, $0xE  }
0x39: {  	[sflag:s5] =	ssyncadd.s32 $0xFFFFC000;
	s20 =	sor.u32 $0x40, s18  }
0x3a: {  	s17 =	smul.u32 $0x10200, s17;
	v0 =	vld [tilespmem:s20+$0x30]  }
0x3b: {  	v3 =	vld [tilespmem:s20+$0xFFFFFFD0]  }
0x3c: {  	s17 =	sshrl.u32 s17, $0x2;
	v4 =	vld [tilespmem:s20+$0xFFFFFFE0]  }
0x3d: {  	v5 =	vld [tilespmem:s20+$0xFFFFFFF0];
	s18 =	sor.u32 $0x8000, s17  }
0x3e: {  	s31 =	sand.u32 $0x1, s13;
	v1 =	vld [tilespmem:s20+$0x0];
	s19 =	sadd.s32 $0x0, s18  }
0x3f: {  	v2 =	vld [tilespmem:s20+$0x10];
	s17 =	smul.u32 $0x10200, s31;
	[tilespmem:s19+$0x3870 ss:$0x81] =	vst.msk $0xffff, v0  }
0x40: {  	[tilespmem:s19+$0x810 ss:$0x81] =	vst.msk $0xffff, v3;
	v3 =	vld [tilespmem:s20+$0x20]  }
0x41: {  	s17 =	sshrl.u32 s17, $0x2;
	v0 =	vld [tilespmem:s20+$0xFFFFFFC0];
	[tilespmem:s19+$0x1020 ss:$0x81] =	vst.msk $0xffff, v4;
	s20 =	sadd.s32 $0x80, s20  }
0x42: {  	s21 =	simm.s32 $0x4;
	s22 =	simm.s32 $0x8;
	s17 =	sor.u32 $0x8000, s17;
	[tilespmem:s19+$0x1830 ss:$0x81] =	vst.msk $0xffff, v5;
	v4 =	vld [tilespmem:s20+$0x30]  }
.LBB1_3:
0x43: {  	p1 =	sne.s32 s22, $0x1FC;
	v5 =	vld [tilespmem:s20+$0xFFFFFFD0];
	[tilespmem:s19+$0x2040 ss:$0x81] =	vst.msk $0xffff, v1  }
0x44: {  	v6 =	vld [tilespmem:s20+$0xFFFFFFE0];
	[tilespmem:s19+$0x2850 ss:$0x81] =	vst.msk $0xffff, v2  }
0x45: {  	s23 =	sshra.s32 s21, $0x2;
	s21 =	smov.u32 s22;
	v7 =	vld [tilespmem:s20+$0xFFFFFFF0];
	[tilespmem:s19+$0x3060 ss:$0x81] =	vst.msk $0xffff, v3  }
.Ltmp3:
0x46: {  	v1 =	vld [tilespmem:s20+$0x0];
	[tilespmem:s19+$0x0 ss:$0x81] =	vst.msk $0xffff, v0;
	s19 =	sadd.s32 s23, s18;
	(pc) =	sbr.rel @p1 .LBB1_3-.Ltmp3, $4  }
0x47: {  	v2 =	vld [tilespmem:s20+$0x10];
	[tilespmem:s19+$0x3870 ss:$0x81] =	vst.msk $0xffff, v4  }
0x48: {  	[tilespmem:s19+$0x810 ss:$0x81] =	vst.msk $0xffff, v5;
	v3 =	vld [tilespmem:s20+$0x20]  }
0x49: {  	v0 =	vld [tilespmem:s20+$0xFFFFFFC0];
	[tilespmem:s19+$0x1020 ss:$0x81] =	vst.msk $0xffff, v6;
	s20 =	sadd.s32 $0x80, s20  }
0x4a: {  	s22 =	sadd.s32 $0x4, s22;
	v4 =	vld [tilespmem:s20+$0x30];
	[tilespmem:s19+$0x1830 ss:$0x81] =	vst.msk $0xffff, v7  }
.Ltmp4:
0x4b: {  	_ = 	snop;
	(pc) =	sbr.rel .LBB1_4-.Ltmp4, $1  }
0x4c: {  	_ =	sdelay $0x3  }
.LBB1_6:
0x4d: {  	_ =	sfence.sel $0x180000  }
0x4e: {  	s1 =	simm.s32 $0x1;
	[bflag:$0x0] =	sbarrier.arrive $0xFFFF  }
0x4f: {  	s31 =	simm.s32 $0x2;
	[sflag:s1] =	ssyncpa.u1 $0x1  }
0x50: {  	[sflag:s31] =	ssyncpa.u1 $0x1  }
0x51: {  	p0 =	sne.s32 s0, $0x0;
	_ =	strace $0x90000047  }
0x52: {  	s0 =	sadd.s32 @!p0 $0x100000, s3;
	[bflag:$0x2] =	sbarrier.arrive $0xFFFF  }
0x53: {  	[sflag:s0] =	ssyncadd.tile.s32 @!p0 $0x1;
	_ =	shalt  }
.Lfunc_end1:
_tile_overlayer_lowered:
.L_overlay_start_2:
0x54: {  	(tag) =	ssettag $0x2  }
0x55: {  	s0 =	rddreg [dreg:$0x0];
	s2 =	stileid.u32  }
0x56: {  	s1 =	rddreg [dreg:$0x1];
	p0 =	sne.s32 s2, $0x0  }
0x57: {  	s3 =	rddreg [dreg:$0x2];
	[bflag:$0x3] =	sbarrier.arrive $0xFFFF;
	s2 =	simm.s32 @!p0 $0x1C01  }
0x58: {  	[timem:s3], [sflag:s2] =	dma.local @!p0 [hbm:s0], s1  }
0x59: {  	s0 =	simm.s32 @!p0 $0x1  }
0x5a: {  	_ =	swait.ge @!p0 [sflag:s0], s1  }
0x5b: {  	s1 =	ssub.s32 @!p0 $0x0, s1;
	[sflag:s0] =	ssyncset.done @!p0 $0x0  }
0x5c: {  	[sflag:s0] =	ssyncadd.s32 @!p0 s1  }
0x5d: {  	[bflag:$0x3] =	sbarrier.arrive $0xFFFF  }
0x5e: {  	_ =	shalt  }

</sc_bundles>
